<compile_context>
chip_gen: v7x
topology: tpu7x:2x2x1
jax: 0.10.2.dev20260603
libtpu: 0.0.44.dev20260713+nightly
codegen_flags: <defaults>
</compile_context>

<pallas_src>
import functools

import jax
import jax.numpy as jnp
from jax import lax
from jax.experimental import pallas as pl
from jax.experimental.pallas import tpu as pltpu
from jax.experimental.pallas import tpu_sc as plsc

N = 10000
NPAD = 10240
E = 320000
D = 128
HID2 = 256

NT = 32
CHUNK = 128
CPT = 80
IB = 40
NB = CPT // IB
EPAD = NT * CPT * CHUNK
RPT = NPAD // 16

BN = 1280
GRID = NPAD // BN
BNF = 1000
GRIDF = N // BNF
ER = E // CHUNK
ERP = EPAD // CHUNK
ERB = 640

_mesh = plsc.VectorSubcoreMesh(core_axis_name="c", subcore_axis_name="s")



EB = ERB * CHUNK


def _edges_body(ei_ref, out_ref):
    j = pl.program_id(0)
    eid = lax.broadcasted_iota(jnp.int32, (2, EB), 1) + j * EB
    pad = N + lax.rem(eid, jnp.int32(NPAD - N))
    v = jnp.where(eid < E, ei_ref[...], pad)
    out_ref[...] = v.reshape(2, ERB // CPT, CPT, CHUNK)


_edges_call = pl.pallas_call(
    _edges_body,
    grid=(ERP // ERB,),
    in_specs=[pl.BlockSpec((2, EB), lambda j: (0, j))],
    out_specs=pl.BlockSpec((2, ERB // CPT, CPT, CHUNK), lambda j: (0, j, 0, 0)),
    out_shape=jax.ShapeDtypeStruct((2, NT, CPT, CHUNK), jnp.int32),
)



@functools.partial(
    pl.kernel,
    mesh=_mesh,
    out_type=jax.ShapeDtypeStruct((2, NPAD, 16), jnp.float32),
    scratch_types=[
        pltpu.VMEM((CPT, CHUNK), jnp.int32),
        pltpu.VMEM((CHUNK, 16), jnp.float32),
        pltpu.VMEM((CHUNK, 16), jnp.float32),
        pltpu.VMEM_SHARED((NPAD, 16), jnp.float32),
        pltpu.SemaphoreType.DMA,
    ],
)
def _deg_kernel(edges_hbm, out_hbm, idx_v, ones_v, zb_v, deg_sh, hsem):
    c = lax.axis_index("c")
    s = lax.axis_index("s")
    w = c * 16 + s
    r0 = s * RPT

    def fill(i, carry):
        ones_v[i] = jnp.ones((16,), jnp.float32)
        zb_v[i] = jnp.zeros((16,), jnp.float32)
        return carry

    lax.fori_loop(0, CHUNK, fill, 0)
    for k in range(RPT // CHUNK):
        pltpu.sync_copy(zb_v, deg_sh.at[pl.ds(r0 + k * CHUNK, CHUNK)])
    pltpu.sync_copy(edges_hbm.at[1, w], idx_v)
    plsc.subcore_barrier()

    def fire(j, carry):
        pltpu.async_copy(ones_v, deg_sh.at[idx_v.at[j]], hsem, add=True)
        return carry

    lax.fori_loop(0, CPT, fire, 0)

    def drain(j, carry):
        pltpu.make_async_copy(ones_v, deg_sh.at[idx_v.at[0]], hsem).wait()
        return carry

    lax.fori_loop(0, CPT, drain, 0)
    plsc.subcore_barrier()
    pltpu.sync_copy(deg_sh.at[pl.ds(r0, RPT)], out_hbm.at[c, pl.ds(r0, RPT)])



@functools.partial(
    pl.kernel,
    mesh=_mesh,
    out_type=jax.ShapeDtypeStruct((2, NPAD, D), jnp.float32),
    scratch_types=[
        pltpu.VMEM((IB, CHUNK), jnp.int32),
        pltpu.VMEM((IB, CHUNK), jnp.int32),
        pltpu.VMEM((CHUNK, D), jnp.float32),
        pltpu.VMEM((CHUNK, D), jnp.float32),
        pltpu.VMEM_SHARED((NPAD, D), jnp.float32),
        pltpu.SemaphoreType.DMA,
        pltpu.SemaphoreType.DMA,
        pltpu.SemaphoreType.DMA,
        pltpu.SemaphoreType.DMA,
    ],
)
def _agg_kernel(g_hbm, edges_hbm, out_hbm,
                src_v, dst_v, buf_a, buf_b, acc_sh, sem_a, sem_b,
                ssem_a, ssem_b):
    c = lax.axis_index("c")
    s = lax.axis_index("s")
    w = c * 16 + s
    r0 = s * RPT

    def zfill(i, carry):
        for k in range(D // 16):
            buf_a[i, pl.ds(k * 16, 16)] = jnp.zeros((16,), jnp.float32)
        return carry

    lax.fori_loop(0, CHUNK, zfill, 0)
    for k in range(RPT // CHUNK):
        pltpu.sync_copy(buf_a, acc_sh.at[pl.ds(r0 + k * CHUNK, CHUNK)])
    plsc.subcore_barrier()

    def block(b, carry):
        pltpu.sync_copy(edges_hbm.at[0, w, pl.ds(b * IB, IB)], src_v)
        pltpu.sync_copy(edges_hbm.at[1, w, pl.ds(b * IB, IB)], dst_v)
        pltpu.async_copy(g_hbm.at[src_v.at[0]], buf_a, sem_a)

        def body(jj, c2):
            j0 = 2 * jj
            j1 = j0 + 1
            pltpu.make_async_copy(g_hbm.at[src_v.at[j0]], buf_a, sem_a).wait()
            pltpu.async_copy(g_hbm.at[src_v.at[j1]], buf_b, sem_b)
            pltpu.async_copy(buf_a, acc_sh.at[dst_v.at[j0]], ssem_a, add=True)
            pltpu.make_async_copy(g_hbm.at[src_v.at[j1]], buf_b, sem_b).wait()
            pltpu.async_copy(buf_b, acc_sh.at[dst_v.at[j1]], ssem_b, add=True)
            pltpu.make_async_copy(buf_a, acc_sh.at[dst_v.at[j0]], ssem_a).wait()

            @pl.when(jj < IB // 2 - 1)
            def _prefetch():
                pltpu.async_copy(g_hbm.at[src_v.at[j0 + 2]], buf_a, sem_a)

            pltpu.make_async_copy(buf_b, acc_sh.at[dst_v.at[j1]], ssem_b).wait()
            return c2

        lax.fori_loop(0, IB // 2, body, 0)
        return carry

    lax.fori_loop(0, NB, block, 0)
    plsc.subcore_barrier()
    pltpu.sync_copy(acc_sh.at[pl.ds(r0, RPT)], out_hbm.at[c, pl.ds(r0, RPT)])



def _dis_of(deg_ref):
    d = deg_ref[...]
    return lax.rsqrt(1.0 + d[0, :, 0:1] + d[1, :, 0:1])


def _pre_body(deg_ref, x_ref, g0_ref):
    rows = pl.program_id(0) * BN + lax.broadcasted_iota(jnp.int32, (BN, 1), 0)
    g0 = x_ref[...] * _dis_of(deg_ref)
    g0_ref[...] = jnp.where(rows < N, g0, 0.0)


_pre_call = pl.pallas_call(
    _pre_body,
    grid=(GRID,),
    in_specs=[
        pl.BlockSpec((2, BN, 16), lambda i: (0, i, 0)),
        pl.BlockSpec((BN, D), lambda i: (i, 0)),
    ],
    out_specs=pl.BlockSpec((BN, D), lambda i: (i, 0)),
    out_shape=jax.ShapeDtypeStruct((NPAD, D), jnp.float32),
)


def _mid_body(deg_ref, p_ref, g0_ref, w1_ref, b1_ref, w2_ref, g1_ref):
    dis = _dis_of(deg_ref)
    p = p_ref[...]
    a = (p[0] + p[1] + g0_ref[...]) * dis
    h = jnp.dot(a, w1_ref[...], preferred_element_type=jnp.float32)
    h = jnp.maximum(h + b1_ref[...], 0.0)
    g1 = jnp.dot(h, w2_ref[...], preferred_element_type=jnp.float32) * dis
    rows = pl.program_id(0) * BN + lax.broadcasted_iota(jnp.int32, (BN, 1), 0)
    g1_ref[...] = jnp.where(rows < N, g1, 0.0)


_mid_call = pl.pallas_call(
    _mid_body,
    grid=(GRID,),
    in_specs=[
        pl.BlockSpec((2, BN, 16), lambda i: (0, i, 0)),
        pl.BlockSpec((2, BN, D), lambda i: (0, i, 0)),
        pl.BlockSpec((BN, D), lambda i: (i, 0)),
        pl.BlockSpec((D, HID2), lambda i: (0, 0)),
        pl.BlockSpec((1, HID2), lambda i: (0, 0)),
        pl.BlockSpec((HID2, D), lambda i: (0, 0)),
    ],
    out_specs=pl.BlockSpec((BN, D), lambda i: (i, 0)),
    out_shape=jax.ShapeDtypeStruct((NPAD, D), jnp.float32),
)


def _fin_body(deg_ref, p_ref, g1_ref, b2_ref, wl_ref, bl_ref, y_ref):
    dis = _dis_of(deg_ref)
    p = p_ref[...]
    p2 = (p[0] + p[1] + g1_ref[...]) * dis + b2_ref[...]
    p2 = jnp.maximum(p2, 0.0)
    y_ref[...] = jnp.dot(p2, wl_ref[...], preferred_element_type=jnp.float32) + bl_ref[...]


_fin_call = pl.pallas_call(
    _fin_body,
    grid=(GRIDF,),
    in_specs=[
        pl.BlockSpec((2, BNF, 16), lambda i: (0, i, 0)),
        pl.BlockSpec((2, BNF, D), lambda i: (0, i, 0)),
        pl.BlockSpec((BNF, D), lambda i: (i, 0)),
        pl.BlockSpec((1, D), lambda i: (0, 0)),
        pl.BlockSpec((D, D), lambda i: (0, 0)),
        pl.BlockSpec((1, D), lambda i: (0, 0)),
    ],
    out_specs=pl.BlockSpec((BNF, D), lambda i: (i, 0)),
    out_shape=jax.ShapeDtypeStruct((N, D), jnp.float32),
)


def kernel(x, edge_attrs, edge_index, W1, b1, W2, b2, Wl, bl):
    del edge_attrs
    edges = _edges_call(edge_index)
    degp = _deg_kernel(edges)
    g0 = _pre_call(degp, x)
    part = _agg_kernel(g0, edges)
    g1 = _mid_call(degp, part, g0, W1, b1.reshape(1, -1), W2)
    part2 = _agg_kernel(g1, edges)
    return _fin_call(degp, part2, g1, b2.reshape(1, -1), Wl, bl.reshape(1, -1))

# --- scband reference (transcript-rebuilt; emitter-appended) ---
"""Pipeline reference for scband-gcnconv-simple-8847632629931 (READ-ONLY COPY).

The authoritative reference and input builder live on the scoring server;
editing this copy changes nothing except your own understanding.
"""

import jax, jax.numpy as jnp
import numpy as np

N = 10000
E = 320000
D_IN = 128
HID = 128
D_OUT = 128
D_EDGE = 16


def setup_inputs(seed: int = 0) -> dict:
    key = jax.random.key(seed)
    ks = jax.random.split(key, 10)
    x = jax.random.normal(ks[0], (N, D_IN), dtype=jnp.float32)
    edge_attrs = jax.random.normal(ks[1], (E, D_EDGE), dtype=jnp.float32)
    edge_index = jax.random.randint(ks[2], (2, E), 0, N, dtype=jnp.int32)
    # conv1: GCNConv(D_IN, 2*HID); lin has no bias, separate bias added post-aggregation
    W1 = jax.random.normal(ks[3], (D_IN, 2 * HID), dtype=jnp.float32) * (1.0 / np.sqrt(D_IN))
    b1 = jnp.zeros((2 * HID,), dtype=jnp.float32)
    # conv2: GCNConv(2*HID, HID)
    W2 = jax.random.normal(ks[4], (2 * HID, HID), dtype=jnp.float32) * (1.0 / np.sqrt(2 * HID))
    b2 = jnp.zeros((HID,), dtype=jnp.float32)
    # final Linear(HID, D_OUT)
    Wl = jax.random.normal(ks[5], (HID, D_OUT), dtype=jnp.float32) * (1.0 / np.sqrt(HID))
    bl = jnp.zeros((D_OUT,), dtype=jnp.float32)
    return {"x": x, "edge_attrs": edge_attrs, "edge_index": edge_index,
            "W1": W1, "b1": b1, "W2": W2, "b2": b2, "Wl": Wl, "bl": bl}


def _gcn_conv(x, edge_index, W, b):
    # PyG GCNConv: add self-loops, symmetric normalization D^-1/2 (A+I) D^-1/2 X W + b
    n = x.shape[0]
    loop = jnp.arange(n, dtype=edge_index.dtype)
    src = jnp.concatenate([edge_index[0], loop])
    dst = jnp.concatenate([edge_index[1], loop])
    ones = jnp.ones(src.shape[0], dtype=x.dtype)
    deg = jnp.zeros((n,), dtype=x.dtype).at[dst].add(ones)
    deg_inv_sqrt = jnp.where(deg > 0, deg ** -0.5, 0.0)
    norm = deg_inv_sqrt[src] * deg_inv_sqrt[dst]
    h = x @ W
    msg = h[src] * norm[:, None]
    out = jnp.zeros((n, h.shape[1]), dtype=x.dtype).at[dst].add(msg)
    return out + b


def reference(x, edge_attrs, edge_index, W1, b1, W2, b2, Wl, bl):
    # edge_attrs is accepted by the torch forward but unused
    h = _gcn_conv(x, edge_index, W1, b1)
    # dropout treated as identity (eval-mode determinism)
    h = jax.nn.relu(h)
    h = _gcn_conv(h, edge_index, W2, b2)
    h = jax.nn.relu(h)
    return h @ Wl + bl

if __name__ == "__main__":
    import jax
    _d = setup_inputs()
    print(jax.jit(kernel)(*tuple(_d.values())))

</pallas_src>

<mosaic_0001>
#map = affine_map<(d0, d1) -> (0, 0)>
#map1 = affine_map<(d0, d1) -> (0, 0, 0, 0)>
#map2 = affine_map<(d0, d1) -> (0, 0, 0)>
module attributes {stable_mosaic.version = 14 : i64} {
  func.func @_agg_kernel(%arg0: i32, %arg1: i32, %arg2: memref<10240x128xf32, #tpu.memory_space<hbm>>, %arg3: memref<2x32x80x128xi32, #tpu.memory_space<hbm>>, %arg4: memref<2x10240x128xf32, #tpu.memory_space<hbm>>, %arg5: memref<40x128xi32, #tpu.memory_space<vmem>>, %arg6: memref<40x128xi32, #tpu.memory_space<vmem>>, %arg7: memref<128x128xf32, #tpu.memory_space<vmem>>, %arg8: memref<128x128xf32, #tpu.memory_space<vmem>>, %arg9: memref<10240x128xf32, #tpu.memory_space<vmem_shared>>, %arg10: memref<!tpu.dma_semaphore, #tpu.memory_space<semaphore_mem>>, %arg11: memref<!tpu.dma_semaphore, #tpu.memory_space<semaphore_mem>>, %arg12: memref<!tpu.dma_semaphore, #tpu.memory_space<semaphore_mem>>, %arg13: memref<!tpu.dma_semaphore, #tpu.memory_space<semaphore_mem>>) attributes {dimension_semantics = [#tpu.dimension_semantics<core_parallel>, #tpu.dimension_semantics<subcore_parallel>], iteration_bounds = array<i64: 2, 16>, scalar_prefetch = 0 : i64, scratch_operands = 9 : i64, tpu.core_type = #tpu.core_type<sc_vector_subcore>, window_params = [{transform_indices = #map}, {transform_indices = #map1}, {transform_indices = #map2}]} {
    %mul3A = arith.constant 16 : i32
    %mul3A_0 = arith.muli %arg0, %mul3A : i32
    %add3A = arith.addi %mul3A_0, %arg1 : i32
    %mul3A_1 = arith.constant 640 : i32
    %mul3A_2 = arith.muli %arg1, %mul3A_1 : i32
    %scan3A = arith.constant 0 : i32
    %scan3A_3 = arith.constant 0 : i32
    %scan3A_4 = arith.constant 128 : i32
    %scan3A_5 = arith.addi %scan3A_3, %scan3A_4 : i32
    %scan3A_6 = arith.constant 1 : i32
    scf.for %scan3A_25 = %scan3A_3 to %scan3A_5 step %scan3A_6  : i32 {
      %broadcast_in_dim3A = arith.constant 0.000000e+00 : f32
      %broadcast_in_dim3A_26 = vector.broadcast %broadcast_in_dim3A : f32 to vector<16xf32>
      %swap3A = arith.index_cast %scan3A_25 : i32 to index
      %swap3A_27 = arith.constant 0 : index
      %swap3A_28 = tpu.vector_load %arg7[%swap3A, %swap3A_27] {strides = array<i32>} : memref<128x128xf32, #tpu.memory_space<vmem>>, vector<1x16xf32>,
      %swap3A_29 = vector.shape_cast %swap3A_28 : vector<1x16xf32> to vector<16xf32>
      %swap3A_30 = vector.shape_cast %broadcast_in_dim3A_26 : vector<16xf32> to vector<1x16xf32>
      tpu.vector_store %arg7[%swap3A, %swap3A_27], %swap3A_30 {strides = array<i32>} : memref<128x128xf32, #tpu.memory_space<vmem>>, vector<1x16xf32>,
      %broadcast_in_dim3A_31 = arith.constant 0.000000e+00 : f32
      %broadcast_in_dim3A_32 = vector.broadcast %broadcast_in_dim3A_31 : f32 to vector<16xf32>
      %swap3A_33 = arith.index_cast %scan3A_25 : i32 to index
      %swap3A_34 = arith.constant 16 : index
      %swap3A_35 = tpu.vector_load %arg7[%swap3A_33, %swap3A_34] {strides = array<i32>} : memref<128x128xf32, #tpu.memory_space<vmem>>, vector<1x16xf32>,
      %swap3A_36 = vector.shape_cast %swap3A_35 : vector<1x16xf32> to vector<16xf32>
      %swap3A_37 = vector.shape_cast %broadcast_in_dim3A_32 : vector<16xf32> to vector<1x16xf32>
      tpu.vector_store %arg7[%swap3A_33, %swap3A_34], %swap3A_37 {strides = array<i32>} : memref<128x128xf32, #tpu.memory_space<vmem>>, vector<1x16xf32>,
      %broadcast_in_dim3A_38 = arith.constant 0.000000e+00 : f32
      %broadcast_in_dim3A_39 = vector.broadcast %broadcast_in_dim3A_38 : f32 to vector<16xf32>
      %swap3A_40 = arith.index_cast %scan3A_25 : i32 to index
      %swap3A_41 = arith.constant 32 : index
      %swap3A_42 = tpu.vector_load %arg7[%swap3A_40, %swap3A_41] {strides = array<i32>} : memref<128x128xf32, #tpu.memory_space<vmem>>, vector<1x16xf32>,
      %swap3A_43 = vector.shape_cast %swap3A_42 : vector<1x16xf32> to vector<16xf32>
      %swap3A_44 = vector.shape_cast %broadcast_in_dim3A_39 : vector<16xf32> to vector<1x16xf32>
      tpu.vector_store %arg7[%swap3A_40, %swap3A_41], %swap3A_44 {strides = array<i32>} : memref<128x128xf32, #tpu.memory_space<vmem>>, vector<1x16xf32>,
      %broadcast_in_dim3A_45 = arith.constant 0.000000e+00 : f32
      %broadcast_in_dim3A_46 = vector.broadcast %broadcast_in_dim3A_45 : f32 to vector<16xf32>
      %swap3A_47 = arith.index_cast %scan3A_25 : i32 to index
      %swap3A_48 = arith.constant 48 : index
      %swap3A_49 = tpu.vector_load %arg7[%swap3A_47, %swap3A_48] {strides = array<i32>} : memref<128x128xf32, #tpu.memory_space<vmem>>, vector<1x16xf32>,
      %swap3A_50 = vector.shape_cast %swap3A_49 : vector<1x16xf32> to vector<16xf32>
      %swap3A_51 = vector.shape_cast %broadcast_in_dim3A_46 : vector<16xf32> to vector<1x16xf32>
      tpu.vector_store %arg7[%swap3A_47, %swap3A_48], %swap3A_51 {strides = array<i32>} : memref<128x128xf32, #tpu.memory_space<vmem>>, vector<1x16xf32>,
      %broadcast_in_dim3A_52 = arith.constant 0.000000e+00 : f32
      %broadcast_in_dim3A_53 = vector.broadcast %broadcast_in_dim3A_52 : f32 to vector<16xf32>
      %swap3A_54 = arith.index_cast %scan3A_25 : i32 to index
      %swap3A_55 = arith.constant 64 : index
      %swap3A_56 = tpu.vector_load %arg7[%swap3A_54, %swap3A_55] {strides = array<i32>} : memref<128x128xf32, #tpu.memory_space<vmem>>, vector<1x16xf32>,
      %swap3A_57 = vector.shape_cast %swap3A_56 : vector<1x16xf32> to vector<16xf32>
      %swap3A_58 = vector.shape_cast %broadcast_in_dim3A_53 : vector<16xf32> to vector<1x16xf32>
      tpu.vector_store %arg7[%swap3A_54, %swap3A_55], %swap3A_58 {strides = array<i32>} : memref<128x128xf32, #tpu.memory_space<vmem>>, vector<1x16xf32>,
      %broadcast_in_dim3A_59 = arith.constant 0.000000e+00 : f32
      %broadcast_in_dim3A_60 = vector.broadcast %broadcast_in_dim3A_59 : f32 to vector<16xf32>
      %swap3A_61 = arith.index_cast %scan3A_25 : i32 to index
      %swap3A_62 = arith.constant 80 : index
      %swap3A_63 = tpu.vector_load %arg7[%swap3A_61, %swap3A_62] {strides = array<i32>} : memref<128x128xf32, #tpu.memory_space<vmem>>, vector<1x16xf32>,
      %swap3A_64 = vector.shape_cast %swap3A_63 : vector<1x16xf32> to vector<16xf32>
      %swap3A_65 = vector.shape_cast %broadcast_in_dim3A_60 : vector<16xf32> to vector<1x16xf32>
      tpu.vector_store %arg7[%swap3A_61, %swap3A_62], %swap3A_65 {strides = array<i32>} : memref<128x128xf32, #tpu.memory_space<vmem>>, vector<1x16xf32>,
      %broadcast_in_dim3A_66 = arith.constant 0.000000e+00 : f32
      %broadcast_in_dim3A_67 = vector.broadcast %broadcast_in_dim3A_66 : f32 to vector<16xf32>
      %swap3A_68 = arith.index_cast %scan3A_25 : i32 to index
      %swap3A_69 = arith.constant 96 : index
      %swap3A_70 = tpu.vector_load %arg7[%swap3A_68, %swap3A_69] {strides = array<i32>} : memref<128x128xf32, #tpu.memory_space<vmem>>, vector<1x16xf32>,
      %swap3A_71 = vector.shape_cast %swap3A_70 : vector<1x16xf32> to vector<16xf32>
      %swap3A_72 = vector.shape_cast %broadcast_in_dim3A_67 : vector<16xf32> to vector<1x16xf32>
      tpu.vector_store %arg7[%swap3A_68, %swap3A_69], %swap3A_72 {strides = array<i32>} : memref<128x128xf32, #tpu.memory_space<vmem>>, vector<1x16xf32>,
      %broadcast_in_dim3A_73 = arith.constant 0.000000e+00 : f32
      %broadcast_in_dim3A_74 = vector.broadcast %broadcast_in_dim3A_73 : f32 to vector<16xf32>
      %swap3A_75 = arith.index_cast %scan3A_25 : i32 to index
      %swap3A_76 = arith.constant 112 : index
      %swap3A_77 = tpu.vector_load %arg7[%swap3A_75, %swap3A_76] {strides = array<i32>} : memref<128x128xf32, #tpu.memory_space<vmem>>, vector<1x16xf32>,
      %swap3A_78 = vector.shape_cast %swap3A_77 : vector<1x16xf32> to vector<16xf32>
      %swap3A_79 = vector.shape_cast %broadcast_in_dim3A_74 : vector<16xf32> to vector<1x16xf32>
      tpu.vector_store %arg7[%swap3A_75, %swap3A_76], %swap3A_79 {strides = array<i32>} : memref<128x128xf32, #tpu.memory_space<vmem>>, vector<1x16xf32>,
    }
    %scan3A_7 = arith.constant 128 : i32
    %add3A_8 = arith.constant 0 : i32
    %add3A_9 = arith.addi %mul3A_2, %add3A_8 : i32
    "tpu.region"() ({
      %run_scoped3A = tpu.sem_alloc : memref<!tpu.dma_semaphore, #tpu.memory_space<semaphore_mem>>
      %dma_start3A = arith.constant 0 : i32
      %dma_start3A_25 = tpu.memref_slice %arg9[%add3A_9, %dma_start3A] : memref<10240x128xf32, #tpu.memory_space<vmem_shared>> -> memref<128x128xf32, #tpu.memory_space<vmem_shared>>
      %dma_start3A_26 = arith.constant 0 : i32
      %dma_start3A_27 = tpu.memref_slice %arg9[%add3A_9, %dma_start3A_26] : memref<10240x128xf32, #tpu.memory_space<vmem_shared>> -> memref<128x128xf32, #tpu.memory_space<vmem_shared>>
      tpu.enqueue_dma source(%arg7 : memref<128x128xf32, #tpu.memory_space<vmem>>) target(%dma_start3A_27 : memref<128x128xf32, #tpu.memory_space<vmem_shared>>) target_semaphore(%run_scoped3A : memref<!tpu.dma_semaphore, #tpu.memory_space<semaphore_mem>>)
      %dma_wait3A = arith.constant 0 : i32
      %dma_wait3A_28 = tpu.memref_slice %arg9[%add3A_9, %dma_wait3A] : memref<10240x128xf32, #tpu.memory_space<vmem_shared>> -> memref<128x128xf32, #tpu.memory_space<vmem_shared>>
      %dma_wait3A_29 = arith.constant 0 : i32
      %dma_wait3A_30 = tpu.memref_slice %arg9[%add3A_9, %dma_wait3A_29] : memref<10240x128xf32, #tpu.memory_space<vmem_shared>> -> memref<128x128xf32, #tpu.memory_space<vmem_shared>>
      tpu.wait_dma2 semaphore(%run_scoped3A : memref<!tpu.dma_semaphore, #tpu.memory_space<semaphore_mem>>) src(%arg7 : memref<128x128xf32, #tpu.memory_space<vmem>>) dst(%dma_wait3A_30 : memref<128x128xf32, #tpu.memory_space<vmem_shared>>)
      tpu.yield
    }) : () -> ()
    %add3A_10 = arith.constant 128 : i32
    %add3A_11 = arith.addi %mul3A_2, %add3A_10 : i32
    "tpu.region"() ({
      %run_scoped3A = tpu.sem_alloc : memref<!tpu.dma_semaphore, #tpu.memory_space<semaphore_mem>>
      %dma_start3A = arith.constant 0 : i32
      %dma_start3A_25 = tpu.memref_slice %arg9[%add3A_11, %dma_start3A] : memref<10240x128xf32, #tpu.memory_space<vmem_shared>> -> memref<128x128xf32, #tpu.memory_space<vmem_shared>>
      %dma_start3A_26 = arith.constant 0 : i32
      %dma_start3A_27 = tpu.memref_slice %arg9[%add3A_11, %dma_start3A_26] : memref<10240x128xf32, #tpu.memory_space<vmem_shared>> -> memref<128x128xf32, #tpu.memory_space<vmem_shared>>
      tpu.enqueue_dma source(%arg7 : memref<128x128xf32, #tpu.memory_space<vmem>>) target(%dma_start3A_27 : memref<128x128xf32, #tpu.memory_space<vmem_shared>>) target_semaphore(%run_scoped3A : memref<!tpu.dma_semaphore, #tpu.memory_space<semaphore_mem>>)
      %dma_wait3A = arith.constant 0 : i32
      %dma_wait3A_28 = tpu.memref_slice %arg9[%add3A_11, %dma_wait3A] : memref<10240x128xf32, #tpu.memory_space<vmem_shared>> -> memref<128x128xf32, #tpu.memory_space<vmem_shared>>
      %dma_wait3A_29 = arith.constant 0 : i32
      %dma_wait3A_30 = tpu.memref_slice %arg9[%add3A_11, %dma_wait3A_29] : memref<10240x128xf32, #tpu.memory_space<vmem_shared>> -> memref<128x128xf32, #tpu.memory_space<vmem_shared>>
      tpu.wait_dma2 semaphore(%run_scoped3A : memref<!tpu.dma_semaphore, #tpu.memory_space<semaphore_mem>>) src(%arg7 : memref<128x128xf32, #tpu.memory_space<vmem>>) dst(%dma_wait3A_30 : memref<128x128xf32, #tpu.memory_space<vmem_shared>>)
      tpu.yield
    }) : () -> ()
    %add3A_12 = arith.constant 256 : i32
    %add3A_13 = arith.addi %mul3A_2, %add3A_12 : i32
    "tpu.region"() ({
      %run_scoped3A = tpu.sem_alloc : memref<!tpu.dma_semaphore, #tpu.memory_space<semaphore_mem>>
      %dma_start3A = arith.constant 0 : i32
      %dma_start3A_25 = tpu.memref_slice %arg9[%add3A_13, %dma_start3A] : memref<10240x128xf32, #tpu.memory_space<vmem_shared>> -> memref<128x128xf32, #tpu.memory_space<vmem_shared>>
      %dma_start3A_26 = arith.constant 0 : i32
      %dma_start3A_27 = tpu.memref_slice %arg9[%add3A_13, %dma_start3A_26] : memref<10240x128xf32, #tpu.memory_space<vmem_shared>> -> memref<128x128xf32, #tpu.memory_space<vmem_shared>>
      tpu.enqueue_dma source(%arg7 : memref<128x128xf32, #tpu.memory_space<vmem>>) target(%dma_start3A_27 : memref<128x128xf32, #tpu.memory_space<vmem_shared>>) target_semaphore(%run_scoped3A : memref<!tpu.dma_semaphore, #tpu.memory_space<semaphore_mem>>)
      %dma_wait3A = arith.constant 0 : i32
      %dma_wait3A_28 = tpu.memref_slice %arg9[%add3A_13, %dma_wait3A] : memref<10240x128xf32, #tpu.memory_space<vmem_shared>> -> memref<128x128xf32, #tpu.memory_space<vmem_shared>>
      %dma_wait3A_29 = arith.constant 0 : i32
      %dma_wait3A_30 = tpu.memref_slice %arg9[%add3A_13, %dma_wait3A_29] : memref<10240x128xf32, #tpu.memory_space<vmem_shared>> -> memref<128x128xf32, #tpu.memory_space<vmem_shared>>
      tpu.wait_dma2 semaphore(%run_scoped3A : memref<!tpu.dma_semaphore, #tpu.memory_space<semaphore_mem>>) src(%arg7 : memref<128x128xf32, #tpu.memory_space<vmem>>) dst(%dma_wait3A_30 : memref<128x128xf32, #tpu.memory_space<vmem_shared>>)
      tpu.yield
    }) : () -> ()
    %add3A_14 = arith.constant 384 : i32
    %add3A_15 = arith.addi %mul3A_2, %add3A_14 : i32
    "tpu.region"() ({
      %run_scoped3A = tpu.sem_alloc : memref<!tpu.dma_semaphore, #tpu.memory_space<semaphore_mem>>
      %dma_start3A = arith.constant 0 : i32
      %dma_start3A_25 = tpu.memref_slice %arg9[%add3A_15, %dma_start3A] : memref<10240x128xf32, #tpu.memory_space<vmem_shared>> -> memref<128x128xf32, #tpu.memory_space<vmem_shared>>
      %dma_start3A_26 = arith.constant 0 : i32
      %dma_start3A_27 = tpu.memref_slice %arg9[%add3A_15, %dma_start3A_26] : memref<10240x128xf32, #tpu.memory_space<vmem_shared>> -> memref<128x128xf32, #tpu.memory_space<vmem_shared>>
      tpu.enqueue_dma source(%arg7 : memref<128x128xf32, #tpu.memory_space<vmem>>) target(%dma_start3A_27 : memref<128x128xf32, #tpu.memory_space<vmem_shared>>) target_semaphore(%run_scoped3A : memref<!tpu.dma_semaphore, #tpu.memory_space<semaphore_mem>>)
      %dma_wait3A = arith.constant 0 : i32
      %dma_wait3A_28 = tpu.memref_slice %arg9[%add3A_15, %dma_wait3A] : memref<10240x128xf32, #tpu.memory_space<vmem_shared>> -> memref<128x128xf32, #tpu.memory_space<vmem_shared>>
      %dma_wait3A_29 = arith.constant 0 : i32
      %dma_wait3A_30 = tpu.memref_slice %arg9[%add3A_15, %dma_wait3A_29] : memref<10240x128xf32, #tpu.memory_space<vmem_shared>> -> memref<128x128xf32, #tpu.memory_space<vmem_shared>>
      tpu.wait_dma2 semaphore(%run_scoped3A : memref<!tpu.dma_semaphore, #tpu.memory_space<semaphore_mem>>) src(%arg7 : memref<128x128xf32, #tpu.memory_space<vmem>>) dst(%dma_wait3A_30 : memref<128x128xf32, #tpu.memory_space<vmem_shared>>)
      tpu.yield
    }) : () -> ()
    %add3A_16 = arith.constant 512 : i32
    %add3A_17 = arith.addi %mul3A_2, %add3A_16 : i32
    "tpu.region"() ({
      %run_scoped3A = tpu.sem_alloc : memref<!tpu.dma_semaphore, #tpu.memory_space<semaphore_mem>>
      %dma_start3A = arith.constant 0 : i32
      %dma_start3A_25 = tpu.memref_slice %arg9[%add3A_17, %dma_start3A] : memref<10240x128xf32, #tpu.memory_space<vmem_shared>> -> memref<128x128xf32, #tpu.memory_space<vmem_shared>>
      %dma_start3A_26 = arith.constant 0 : i32
      %dma_start3A_27 = tpu.memref_slice %arg9[%add3A_17, %dma_start3A_26] : memref<10240x128xf32, #tpu.memory_space<vmem_shared>> -> memref<128x128xf32, #tpu.memory_space<vmem_shared>>
      tpu.enqueue_dma source(%arg7 : memref<128x128xf32, #tpu.memory_space<vmem>>) target(%dma_start3A_27 : memref<128x128xf32, #tpu.memory_space<vmem_shared>>) target_semaphore(%run_scoped3A : memref<!tpu.dma_semaphore, #tpu.memory_space<semaphore_mem>>)
      %dma_wait3A = arith.constant 0 : i32
      %dma_wait3A_28 = tpu.memref_slice %arg9[%add3A_17, %dma_wait3A] : memref<10240x128xf32, #tpu.memory_space<vmem_shared>> -> memref<128x128xf32, #tpu.memory_space<vmem_shared>>
      %dma_wait3A_29 = arith.constant 0 : i32
      %dma_wait3A_30 = tpu.memref_slice %arg9[%add3A_17, %dma_wait3A_29] : memref<10240x128xf32, #tpu.memory_space<vmem_shared>> -> memref<128x128xf32, #tpu.memory_space<vmem_shared>>
      tpu.wait_dma2 semaphore(%run_scoped3A : memref<!tpu.dma_semaphore, #tpu.memory_space<semaphore_mem>>) src(%arg7 : memref<128x128xf32, #tpu.memory_space<vmem>>) dst(%dma_wait3A_30 : memref<128x128xf32, #tpu.memory_space<vmem_shared>>)
      tpu.yield
    }) : () -> ()
    %barrier3A = arith.constant 0 : index
    tpu.barrier barrier_id(%barrier3A)
    %scan3A_18 = arith.constant 0 : i32
    %scan3A_19 = arith.constant 0 : i32
    %scan3A_20 = arith.constant 2 : i32
    %scan3A_21 = arith.addi %scan3A_19, %scan3A_20 : i32
    %scan3A_22 = arith.constant 1 : i32
    scf.for %scan3A_25 = %scan3A_19 to %scan3A_21 step %scan3A_22  : i32 {
      %mul3A_26 = arith.constant 40 : i32
      %mul3A_27 = arith.muli %scan3A_25, %mul3A_26 : i32
      %run_scoped3A = arith.constant 0 : i32
      "tpu.region"() ({
        %run_scoped3A_43 = tpu.sem_alloc : memref<!tpu.dma_semaphore, #tpu.memory_space<semaphore_mem>>
        %dma_start3A_44 = arith.constant 0 : i32
        %dma_start3A_45 = tpu.memref_slice %arg3[%run_scoped3A, %add3A, %mul3A_27, %dma_start3A_44] : memref<2x32x80x128xi32, #tpu.memory_space<hbm>> -> memref<1x1x40x128xi32, #tpu.memory_space<hbm>>
        %dma_start3A_46 = tpu.memref_squeeze %dma_start3A_45 : memref<1x1x40x128xi32, #tpu.memory_space<hbm>> -> memref<40x128xi32, #tpu.memory_space<hbm>>
        %dma_start3A_47 = arith.constant 0 : i32
        %dma_start3A_48 = tpu.memref_slice %arg3[%run_scoped3A, %add3A, %mul3A_27, %dma_start3A_47] : memref<2x32x80x128xi32, #tpu.memory_space<hbm>> -> memref<1x1x40x128xi32, #tpu.memory_space<hbm>>
        %dma_start3A_49 = tpu.memref_squeeze %dma_start3A_48 : memref<1x1x40x128xi32, #tpu.memory_space<hbm>> -> memref<40x128xi32, #tpu.memory_space<hbm>>
        tpu.enqueue_dma source(%dma_start3A_49 : memref<40x128xi32, #tpu.memory_space<hbm>>) target(%arg5 : memref<40x128xi32, #tpu.memory_space<vmem>>) target_semaphore(%run_scoped3A_43 : memref<!tpu.dma_semaphore, #tpu.memory_space<semaphore_mem>>)
        %dma_wait3A = arith.constant 0 : i32
        %dma_wait3A_50 = tpu.memref_slice %arg3[%run_scoped3A, %add3A, %mul3A_27, %dma_wait3A] : memref<2x32x80x128xi32, #tpu.memory_space<hbm>> -> memref<1x1x40x128xi32, #tpu.memory_space<hbm>>
        %dma_wait3A_51 = tpu.memref_squeeze %dma_wait3A_50 : memref<1x1x40x128xi32, #tpu.memory_space<hbm>> -> memref<40x128xi32, #tpu.memory_space<hbm>>
        %dma_wait3A_52 = arith.constant 0 : i32
        %dma_wait3A_53 = tpu.memref_slice %arg3[%run_scoped3A, %add3A, %mul3A_27, %dma_wait3A_52] : memref<2x32x80x128xi32, #tpu.memory_space<hbm>> -> memref<1x1x40x128xi32, #tpu.memory_space<hbm>>
        %dma_wait3A_54 = tpu.memref_squeeze %dma_wait3A_53 : memref<1x1x40x128xi32, #tpu.memory_space<hbm>> -> memref<40x128xi32, #tpu.memory_space<hbm>>
        tpu.wait_dma2 semaphore(%run_scoped3A_43 : memref<!tpu.dma_semaphore, #tpu.memory_space<semaphore_mem>>) src(%dma_wait3A_54 : memref<40x128xi32, #tpu.memory_space<hbm>>) dst(%arg5 : memref<40x128xi32, #tpu.memory_space<vmem>>)
        tpu.yield
      }) : () -> ()
      %mul3A_28 = arith.constant 40 : i32
      %mul3A_29 = arith.muli %scan3A_25, %mul3A_28 : i32
      %run_scoped3A_30 = arith.constant 1 : i32
      "tpu.region"() ({
        %run_scoped3A_43 = tpu.sem_alloc : memref<!tpu.dma_semaphore, #tpu.memory_space<semaphore_mem>>
        %dma_start3A_44 = arith.constant 0 : i32
        %dma_start3A_45 = tpu.memref_slice %arg3[%run_scoped3A_30, %add3A, %mul3A_29, %dma_start3A_44] : memref<2x32x80x128xi32, #tpu.memory_space<hbm>> -> memref<1x1x40x128xi32, #tpu.memory_space<hbm>>
        %dma_start3A_46 = tpu.memref_squeeze %dma_start3A_45 : memref<1x1x40x128xi32, #tpu.memory_space<hbm>> -> memref<40x128xi32, #tpu.memory_space<hbm>>
        %dma_start3A_47 = arith.constant 0 : i32
        %dma_start3A_48 = tpu.memref_slice %arg3[%run_scoped3A_30, %add3A, %mul3A_29, %dma_start3A_47] : memref<2x32x80x128xi32, #tpu.memory_space<hbm>> -> memref<1x1x40x128xi32, #tpu.memory_space<hbm>>
        %dma_start3A_49 = tpu.memref_squeeze %dma_start3A_48 : memref<1x1x40x128xi32, #tpu.memory_space<hbm>> -> memref<40x128xi32, #tpu.memory_space<hbm>>
        tpu.enqueue_dma source(%dma_start3A_49 : memref<40x128xi32, #tpu.memory_space<hbm>>) target(%arg6 : memref<40x128xi32, #tpu.memory_space<vmem>>) target_semaphore(%run_scoped3A_43 : memref<!tpu.dma_semaphore, #tpu.memory_space<semaphore_mem>>)
        %dma_wait3A = arith.constant 0 : i32
        %dma_wait3A_50 = tpu.memref_slice %arg3[%run_scoped3A_30, %add3A, %mul3A_29, %dma_wait3A] : memref<2x32x80x128xi32, #tpu.memory_space<hbm>> -> memref<1x1x40x128xi32, #tpu.memory_space<hbm>>
        %dma_wait3A_51 = tpu.memref_squeeze %dma_wait3A_50 : memref<1x1x40x128xi32, #tpu.memory_space<hbm>> -> memref<40x128xi32, #tpu.memory_space<hbm>>
        %dma_wait3A_52 = arith.constant 0 : i32
        %dma_wait3A_53 = tpu.memref_slice %arg3[%run_scoped3A_30, %add3A, %mul3A_29, %dma_wait3A_52] : memref<2x32x80x128xi32, #tpu.memory_space<hbm>> -> memref<1x1x40x128xi32, #tpu.memory_space<hbm>>
        %dma_wait3A_54 = tpu.memref_squeeze %dma_wait3A_53 : memref<1x1x40x128xi32, #tpu.memory_space<hbm>> -> memref<40x128xi32, #tpu.memory_space<hbm>>
        tpu.wait_dma2 semaphore(%run_scoped3A_43 : memref<!tpu.dma_semaphore, #tpu.memory_space<semaphore_mem>>) src(%dma_wait3A_54 : memref<40x128xi32, #tpu.memory_space<hbm>>) dst(%arg6 : memref<40x128xi32, #tpu.memory_space<vmem>>)
        tpu.yield
      }) : () -> ()
      %dma_start3A = arith.constant 0 : i32
      %dma_start3A_31 = arith.constant 0 : i32
      %dma_start3A_32 = tpu.memref_slice %arg5[%dma_start3A, %dma_start3A_31] : memref<40x128xi32, #tpu.memory_space<vmem>> -> memref<1x128xi32, #tpu.memory_space<vmem>>
      %dma_start3A_33 = tpu.memref_squeeze %dma_start3A_32 : memref<1x128xi32, #tpu.memory_space<vmem>> -> memref<128xi32, #tpu.memory_space<vmem>>
      %dma_start3A_34 = arith.constant 0 : i32
      %dma_start3A_35 = arith.constant 0 : i32
      %dma_start3A_36 = tpu.memref_slice %arg2[%dma_start3A_34, %dma_start3A_35] : memref<10240x128xf32, #tpu.memory_space<hbm>> -> memref<10240x128xf32, #tpu.memory_space<hbm>>
      tpu.enqueue_indirect_dma source(%dma_start3A_36 : memref<10240x128xf32, #tpu.memory_space<hbm>>) target(%arg7 : memref<128x128xf32, #tpu.memory_space<vmem>>) offsets(%dma_start3A_33 : memref<128xi32, #tpu.memory_space<vmem>>) semaphore(%arg10 : memref<!tpu.dma_semaphore, #tpu.memory_space<semaphore_mem>>)
      %scan3A_37 = arith.constant 0 : i32
      %scan3A_38 = arith.constant 0 : i32
      %scan3A_39 = arith.constant 20 : i32
      %scan3A_40 = arith.addi %scan3A_38, %scan3A_39 : i32
      %scan3A_41 = arith.constant 1 : i32
      scf.for %scan3A_43 = %scan3A_38 to %scan3A_40 step %scan3A_41  : i32 {
        %mul3A_44 = arith.constant 2 : i32
        %mul3A_45 = arith.muli %mul3A_44, %scan3A_43 : i32
        %add3A_46 = arith.constant 1 : i32
        %add3A_47 = arith.addi %mul3A_45, %add3A_46 : i32
        %dma_wait3A = arith.constant 0 : i32
        %dma_wait3A_48 = tpu.memref_slice %arg5[%mul3A_45, %dma_wait3A] : memref<40x128xi32, #tpu.memory_space<vmem>> -> memref<1x128xi32, #tpu.memory_space<vmem>>
        %dma_wait3A_49 = tpu.memref_squeeze %dma_wait3A_48 : memref<1x128xi32, #tpu.memory_space<vmem>> -> memref<128xi32, #tpu.memory_space<vmem>>
        %dma_wait3A_50 = arith.constant 0 : i32
        %dma_wait3A_51 = arith.constant 0 : i32
        %dma_wait3A_52 = tpu.memref_slice %arg2[%dma_wait3A_50, %dma_wait3A_51] : memref<10240x128xf32, #tpu.memory_space<hbm>> -> memref<10240x128xf32, #tpu.memory_space<hbm>>
        tpu.wait_indirect_dma semaphore(%arg10 : memref<!tpu.dma_semaphore, #tpu.memory_space<semaphore_mem>>) src(%dma_wait3A_52 : memref<10240x128xf32, #tpu.memory_space<hbm>>) dst(%arg7 : memref<128x128xf32, #tpu.memory_space<vmem>>)
        %dma_start3A_53 = arith.constant 0 : i32
        %dma_start3A_54 = tpu.memref_slice %arg5[%add3A_47, %dma_start3A_53] : memref<40x128xi32, #tpu.memory_space<vmem>> -> memref<1x128xi32, #tpu.memory_space<vmem>>
        %dma_start3A_55 = tpu.memref_squeeze %dma_start3A_54 : memref<1x128xi32, #tpu.memory_space<vmem>> -> memref<128xi32, #tpu.memory_space<vmem>>
        %dma_start3A_56 = arith.constant 0 : i32
        %dma_start3A_57 = arith.constant 0 : i32
        %dma_start3A_58 = tpu.memref_slice %arg2[%dma_start3A_56, %dma_start3A_57] : memref<10240x128xf32, #tpu.memory_space<hbm>> -> memref<10240x128xf32, #tpu.memory_space<hbm>>
        tpu.enqueue_indirect_dma source(%dma_start3A_58 : memref<10240x128xf32, #tpu.memory_space<hbm>>) target(%arg8 : memref<128x128xf32, #tpu.memory_space<vmem>>) offsets(%dma_start3A_55 : memref<128xi32, #tpu.memory_space<vmem>>) semaphore(%arg11 : memref<!tpu.dma_semaphore, #tpu.memory_space<semaphore_mem>>)
        %dma_start3A_59 = arith.constant 0 : i32
        %dma_start3A_60 = tpu.memref_slice %arg6[%mul3A_45, %dma_start3A_59] : memref<40x128xi32, #tpu.memory_space<vmem>> -> memref<1x128xi32, #tpu.memory_space<vmem>>
        %dma_start3A_61 = tpu.memref_squeeze %dma_start3A_60 : memref<1x128xi32, #tpu.memory_space<vmem>> -> memref<128xi32, #tpu.memory_space<vmem>>
        %dma_start3A_62 = arith.constant 0 : i32
        %dma_start3A_63 = arith.constant 0 : i32
        %dma_start3A_64 = tpu.memref_slice %arg9[%dma_start3A_62, %dma_start3A_63] : memref<10240x128xf32, #tpu.memory_space<vmem_shared>> -> memref<10240x128xf32, #tpu.memory_space<vmem_shared>>
        tpu.enqueue_indirect_dma source(%arg7 : memref<128x128xf32, #tpu.memory_space<vmem>>) target(%dma_start3A_64 : memref<10240x128xf32, #tpu.memory_space<vmem_shared>>) offsets(%dma_start3A_61 : memref<128xi32, #tpu.memory_space<vmem>>) semaphore(%arg12 : memref<!tpu.dma_semaphore, #tpu.memory_space<semaphore_mem>>) {add = true}
        %dma_wait3A_65 = arith.constant 0 : i32
        %dma_wait3A_66 = tpu.memref_slice %arg5[%add3A_47, %dma_wait3A_65] : memref<40x128xi32, #tpu.memory_space<vmem>> -> memref<1x128xi32, #tpu.memory_space<vmem>>
        %dma_wait3A_67 = tpu.memref_squeeze %dma_wait3A_66 : memref<1x128xi32, #tpu.memory_space<vmem>> -> memref<128xi32, #tpu.memory_space<vmem>>
        %dma_wait3A_68 = arith.constant 0 : i32
        %dma_wait3A_69 = arith.constant 0 : i32
        %dma_wait3A_70 = tpu.memref_slice %arg2[%dma_wait3A_68, %dma_wait3A_69] : memref<10240x128xf32, #tpu.memory_space<hbm>> -> memref<10240x128xf32, #tpu.memory_space<hbm>>
        tpu.wait_indirect_dma semaphore(%arg11 : memref<!tpu.dma_semaphore, #tpu.memory_space<semaphore_mem>>) src(%dma_wait3A_70 : memref<10240x128xf32, #tpu.memory_space<hbm>>) dst(%arg8 : memref<128x128xf32, #tpu.memory_space<vmem>>)
        %dma_start3A_71 = arith.constant 0 : i32
        %dma_start3A_72 = tpu.memref_slice %arg6[%add3A_47, %dma_start3A_71] : memref<40x128xi32, #tpu.memory_space<vmem>> -> memref<1x128xi32, #tpu.memory_space<vmem>>
        %dma_start3A_73 = tpu.memref_squeeze %dma_start3A_72 : memref<1x128xi32, #tpu.memory_space<vmem>> -> memref<128xi32, #tpu.memory_space<vmem>>
        %dma_start3A_74 = arith.constant 0 : i32
        %dma_start3A_75 = arith.constant 0 : i32
        %dma_start3A_76 = tpu.memref_slice %arg9[%dma_start3A_74, %dma_start3A_75] : memref<10240x128xf32, #tpu.memory_space<vmem_shared>> -> memref<10240x128xf32, #tpu.memory_space<vmem_shared>>
        tpu.enqueue_indirect_dma source(%arg8 : memref<128x128xf32, #tpu.memory_space<vmem>>) target(%dma_start3A_76 : memref<10240x128xf32, #tpu.memory_space<vmem_shared>>) offsets(%dma_start3A_73 : memref<128xi32, #tpu.memory_space<vmem>>) semaphore(%arg13 : memref<!tpu.dma_semaphore, #tpu.memory_space<semaphore_mem>>) {add = true}
        %dma_wait3A_77 = arith.constant 0 : i32
        %dma_wait3A_78 = tpu.memref_slice %arg6[%mul3A_45, %dma_wait3A_77] : memref<40x128xi32, #tpu.memory_space<vmem>> -> memref<1x128xi32, #tpu.memory_space<vmem>>
        %dma_wait3A_79 = tpu.memref_squeeze %dma_wait3A_78 : memref<1x128xi32, #tpu.memory_space<vmem>> -> memref<128xi32, #tpu.memory_space<vmem>>
        %dma_wait3A_80 = arith.constant 0 : i32
        %dma_wait3A_81 = arith.constant 0 : i32
        %dma_wait3A_82 = tpu.memref_slice %arg9[%dma_wait3A_80, %dma_wait3A_81] : memref<10240x128xf32, #tpu.memory_space<vmem_shared>> -> memref<10240x128xf32, #tpu.memory_space<vmem_shared>>
        tpu.wait_indirect_dma semaphore(%arg12 : memref<!tpu.dma_semaphore, #tpu.memory_space<semaphore_mem>>) src(%arg7 : memref<128x128xf32, #tpu.memory_space<vmem>>) dst(%dma_wait3A_82 : memref<10240x128xf32, #tpu.memory_space<vmem_shared>>)
        %lt3A = arith.constant 19 : i32
        %lt3A_83 = arith.cmpi slt, %scan3A_43, %lt3A : i32
        %convert_element_type3A = arith.extui %lt3A_83 : i1 to i32
        %cond3A = arith.constant 0 : i32
        %cond3A_84 = arith.cmpi ne, %convert_element_type3A, %cond3A : i32
        scf.if %cond3A_84 {
          %add3A_91 = arith.constant 2 : i32
          %add3A_92 = arith.addi %mul3A_45, %add3A_91 : i32
          %dma_start3A_93 = arith.constant 0 : i32
          %dma_start3A_94 = tpu.memref_slice %arg5[%add3A_92, %dma_start3A_93] : memref<40x128xi32, #tpu.memory_space<vmem>> -> memref<1x128xi32, #tpu.memory_space<vmem>>
          %dma_start3A_95 = tpu.memref_squeeze %dma_start3A_94 : memref<1x128xi32, #tpu.memory_space<vmem>> -> memref<128xi32, #tpu.memory_space<vmem>>
          %dma_start3A_96 = arith.constant 0 : i32
          %dma_start3A_97 = arith.constant 0 : i32
          %dma_start3A_98 = tpu.memref_slice %arg2[%dma_start3A_96, %dma_start3A_97] : memref<10240x128xf32, #tpu.memory_space<hbm>> -> memref<10240x128xf32, #tpu.memory_space<hbm>>
          tpu.enqueue_indirect_dma source(%dma_start3A_98 : memref<10240x128xf32, #tpu.memory_space<hbm>>) target(%arg7 : memref<128x128xf32, #tpu.memory_space<vmem>>) offsets(%dma_start3A_95 : memref<128xi32, #tpu.memory_space<vmem>>) semaphore(%arg10 : memref<!tpu.dma_semaphore, #tpu.memory_space<semaphore_mem>>)
        } else {
        }
        %dma_wait3A_85 = arith.constant 0 : i32
        %dma_wait3A_86 = tpu.memref_slice %arg6[%add3A_47, %dma_wait3A_85] : memref<40x128xi32, #tpu.memory_space<vmem>> -> memref<1x128xi32, #tpu.memory_space<vmem>>
        %dma_wait3A_87 = tpu.memref_squeeze %dma_wait3A_86 : memref<1x128xi32, #tpu.memory_space<vmem>> -> memref<128xi32, #tpu.memory_space<vmem>>
        %dma_wait3A_88 = arith.constant 0 : i32
        %dma_wait3A_89 = arith.constant 0 : i32
        %dma_wait3A_90 = tpu.memref_slice %arg9[%dma_wait3A_88, %dma_wait3A_89] : memref<10240x128xf32, #tpu.memory_space<vmem_shared>> -> memref<10240x128xf32, #tpu.memory_space<vmem_shared>>
        tpu.wait_indirect_dma semaphore(%arg13 : memref<!tpu.dma_semaphore, #tpu.memory_space<semaphore_mem>>) src(%arg8 : memref<128x128xf32, #tpu.memory_space<vmem>>) dst(%dma_wait3A_90 : memref<10240x128xf32, #tpu.memory_space<vmem_shared>>)
      }
      %scan3A_42 = arith.constant 20 : i32
    }
    %scan3A_23 = arith.constant 2 : i32
    %barrier3A_24 = arith.constant 0 : index
    tpu.barrier barrier_id(%barrier3A_24)
    "tpu.region"() ({
      %run_scoped3A = tpu.sem_alloc : memref<!tpu.dma_semaphore, #tpu.memory_space<semaphore_mem>>
      %dma_start3A = arith.constant 0 : i32
      %dma_start3A_25 = tpu.memref_slice %arg4[%arg0, %mul3A_2, %dma_start3A] : memref<2x10240x128xf32, #tpu.memory_space<hbm>> -> memref<1x640x128xf32, #tpu.memory_space<hbm>>
      %dma_start3A_26 = tpu.memref_squeeze %dma_start3A_25 : memref<1x640x128xf32, #tpu.memory_space<hbm>> -> memref<640x128xf32, #tpu.memory_space<hbm>>
      %dma_start3A_27 = arith.constant 0 : i32
      %dma_start3A_28 = tpu.memref_slice %arg9[%mul3A_2, %dma_start3A_27] : memref<10240x128xf32, #tpu.memory_space<vmem_shared>> -> memref<640x128xf32, #tpu.memory_space<vmem_shared>>
      tpu.enqueue_dma source(%dma_start3A_28 : memref<640x128xf32, #tpu.memory_space<vmem_shared>>) target(%dma_start3A_26 : memref<640x128xf32, #tpu.memory_space<hbm>>) target_semaphore(%run_scoped3A : memref<!tpu.dma_semaphore, #tpu.memory_space<semaphore_mem>>)
      %dma_wait3A = arith.constant 0 : i32
      %dma_wait3A_29 = tpu.memref_slice %arg4[%arg0, %mul3A_2, %dma_wait3A] : memref<2x10240x128xf32, #tpu.memory_space<hbm>> -> memref<1x640x128xf32, #tpu.memory_space<hbm>>
      %dma_wait3A_30 = tpu.memref_squeeze %dma_wait3A_29 : memref<1x640x128xf32, #tpu.memory_space<hbm>> -> memref<640x128xf32, #tpu.memory_space<hbm>>
      %dma_wait3A_31 = arith.constant 0 : i32
      %dma_wait3A_32 = tpu.memref_slice %arg9[%mul3A_2, %dma_wait3A_31] : memref<10240x128xf32, #tpu.memory_space<vmem_shared>> -> memref<640x128xf32, #tpu.memory_space<vmem_shared>>
      tpu.wait_dma2 semaphore(%run_scoped3A : memref<!tpu.dma_semaphore, #tpu.memory_space<semaphore_mem>>) src(%dma_wait3A_32 : memref<640x128xf32, #tpu.memory_space<vmem_shared>>) dst(%dma_wait3A_30 : memref<640x128xf32, #tpu.memory_space<hbm>>)
      tpu.yield
    }) : () -> ()
    return
  }
}

#map = affine_map<(d0, d1) -> (0, 0)>
#map1 = affine_map<(d0, d1) -> (0, 0, 0, 0)>
#map2 = affine_map<(d0, d1) -> (0, 0, 0)>
module attributes {stable_mosaic.version = 14 : i64} {
  func.func @_agg_kernel(%arg0: i32, %arg1: i32, %arg2: memref<10240x128xf32, #tpu.memory_space<hbm>>, %arg3: memref<2x32x80x128xi32, #tpu.memory_space<hbm>>, %arg4: memref<2x10240x128xf32, #tpu.memory_space<hbm>>, %arg5: memref<40x128xi32, #tpu.memory_space<vmem>>, %arg6: memref<40x128xi32, #tpu.memory_space<vmem>>, %arg7: memref<128x128xf32, #tpu.memory_space<vmem>>, %arg8: memref<128x128xf32, #tpu.memory_space<vmem>>, %arg9: memref<10240x128xf32, #tpu.memory_space<vmem_shared>>, %arg10: memref<!tpu.dma_semaphore, #tpu.memory_space<semaphore_mem>>, %arg11: memref<!tpu.dma_semaphore, #tpu.memory_space<semaphore_mem>>, %arg12: memref<!tpu.dma_semaphore, #tpu.memory_space<semaphore_mem>>, %arg13: memref<!tpu.dma_semaphore, #tpu.memory_space<semaphore_mem>>) attributes {dimension_semantics = [#tpu.dimension_semantics<core_parallel>, #tpu.dimension_semantics<subcore_parallel>], iteration_bounds = array<i64: 2, 16>, scalar_prefetch = 0 : i64, scratch_operands = 9 : i64, tpu.core_type = #tpu.core_type<sc_vector_subcore>, window_params = [{transform_indices = #map}, {transform_indices = #map1}, {transform_indices = #map2}]} {
    %mul3A = arith.constant 16 : i32
    %mul3A_0 = arith.muli %arg0, %mul3A : i32
    %add3A = arith.addi %mul3A_0, %arg1 : i32
    %mul3A_1 = arith.constant 640 : i32
    %mul3A_2 = arith.muli %arg1, %mul3A_1 : i32
    %scan3A = arith.constant 0 : i32
    %scan3A_3 = arith.constant 0 : i32
    %scan3A_4 = arith.constant 128 : i32
    %scan3A_5 = arith.addi %scan3A_3, %scan3A_4 : i32
    %scan3A_6 = arith.constant 1 : i32
    scf.for %scan3A_25 = %scan3A_3 to %scan3A_5 step %scan3A_6  : i32 {
      %broadcast_in_dim3A = arith.constant 0.000000e+00 : f32
      %broadcast_in_dim3A_26 = vector.broadcast %broadcast_in_dim3A : f32 to vector<16xf32>
      %swap3A = arith.index_cast %scan3A_25 : i32 to index
      %swap3A_27 = arith.constant 0 : index
      %swap3A_28 = tpu.vector_load %arg7[%swap3A, %swap3A_27] {strides = array<i32>} : memref<128x128xf32, #tpu.memory_space<vmem>>, vector<1x16xf32>,
      %swap3A_29 = vector.shape_cast %swap3A_28 : vector<1x16xf32> to vector<16xf32>
      %swap3A_30 = vector.shape_cast %broadcast_in_dim3A_26 : vector<16xf32> to vector<1x16xf32>
      tpu.vector_store %arg7[%swap3A, %swap3A_27], %swap3A_30 {strides = array<i32>} : memref<128x128xf32, #tpu.memory_space<vmem>>, vector<1x16xf32>,
      %broadcast_in_dim3A_31 = arith.constant 0.000000e+00 : f32
      %broadcast_in_dim3A_32 = vector.broadcast %broadcast_in_dim3A_31 : f32 to vector<16xf32>
      %swap3A_33 = arith.index_cast %scan3A_25 : i32 to index
      %swap3A_34 = arith.constant 16 : index
      %swap3A_35 = tpu.vector_load %arg7[%swap3A_33, %swap3A_34] {strides = array<i32>} : memref<128x128xf32, #tpu.memory_space<vmem>>, vector<1x16xf32>,
      %swap3A_36 = vector.shape_cast %swap3A_35 : vector<1x16xf32> to vector<16xf32>
      %swap3A_37 = vector.shape_cast %broadcast_in_dim3A_32 : vector<16xf32> to vector<1x16xf32>
      tpu.vector_store %arg7[%swap3A_33, %swap3A_34], %swap3A_37 {strides = array<i32>} : memref<128x128xf32, #tpu.memory_space<vmem>>, vector<1x16xf32>,
      %broadcast_in_dim3A_38 = arith.constant 0.000000e+00 : f32
      %broadcast_in_dim3A_39 = vector.broadcast %broadcast_in_dim3A_38 : f32 to vector<16xf32>
      %swap3A_40 = arith.index_cast %scan3A_25 : i32 to index
      %swap3A_41 = arith.constant 32 : index
      %swap3A_42 = tpu.vector_load %arg7[%swap3A_40, %swap3A_41] {strides = array<i32>} : memref<128x128xf32, #tpu.memory_space<vmem>>, vector<1x16xf32>,
      %swap3A_43 = vector.shape_cast %swap3A_42 : vector<1x16xf32> to vector<16xf32>
      %swap3A_44 = vector.shape_cast %broadcast_in_dim3A_39 : vector<16xf32> to vector<1x16xf32>
      tpu.vector_store %arg7[%swap3A_40, %swap3A_41], %swap3A_44 {strides = array<i32>} : memref<128x128xf32, #tpu.memory_space<vmem>>, vector<1x16xf32>,
      %broadcast_in_dim3A_45 = arith.constant 0.000000e+00 : f32
      %broadcast_in_dim3A_46 = vector.broadcast %broadcast_in_dim3A_45 : f32 to vector<16xf32>
      %swap3A_47 = arith.index_cast %scan3A_25 : i32 to index
      %swap3A_48 = arith.constant 48 : index
      %swap3A_49 = tpu.vector_load %arg7[%swap3A_47, %swap3A_48] {strides = array<i32>} : memref<128x128xf32, #tpu.memory_space<vmem>>, vector<1x16xf32>,
      %swap3A_50 = vector.shape_cast %swap3A_49 : vector<1x16xf32> to vector<16xf32>
      %swap3A_51 = vector.shape_cast %broadcast_in_dim3A_46 : vector<16xf32> to vector<1x16xf32>
      tpu.vector_store %arg7[%swap3A_47, %swap3A_48], %swap3A_51 {strides = array<i32>} : memref<128x128xf32, #tpu.memory_space<vmem>>, vector<1x16xf32>,
      %broadcast_in_dim3A_52 = arith.constant 0.000000e+00 : f32
      %broadcast_in_dim3A_53 = vector.broadcast %broadcast_in_dim3A_52 : f32 to vector<16xf32>
      %swap3A_54 = arith.index_cast %scan3A_25 : i32 to index
      %swap3A_55 = arith.constant 64 : index
      %swap3A_56 = tpu.vector_load %arg7[%swap3A_54, %swap3A_55] {strides = array<i32>} : memref<128x128xf32, #tpu.memory_space<vmem>>, vector<1x16xf32>,
      %swap3A_57 = vector.shape_cast %swap3A_56 : vector<1x16xf32> to vector<16xf32>
      %swap3A_58 = vector.shape_cast %broadcast_in_dim3A_53 : vector<16xf32> to vector<1x16xf32>
      tpu.vector_store %arg7[%swap3A_54, %swap3A_55], %swap3A_58 {strides = array<i32>} : memref<128x128xf32, #tpu.memory_space<vmem>>, vector<1x16xf32>,
      %broadcast_in_dim3A_59 = arith.constant 0.000000e+00 : f32
      %broadcast_in_dim3A_60 = vector.broadcast %broadcast_in_dim3A_59 : f32 to vector<16xf32>
      %swap3A_61 = arith.index_cast %scan3A_25 : i32 to index
      %swap3A_62 = arith.constant 80 : index
      %swap3A_63 = tpu.vector_load %arg7[%swap3A_61, %swap3A_62] {strides = array<i32>} : memref<128x128xf32, #tpu.memory_space<vmem>>, vector<1x16xf32>,
      %swap3A_64 = vector.shape_cast %swap3A_63 : vector<1x16xf32> to vector<16xf32>
      %swap3A_65 = vector.shape_cast %broadcast_in_dim3A_60 : vector<16xf32> to vector<1x16xf32>
      tpu.vector_store %arg7[%swap3A_61, %swap3A_62], %swap3A_65 {strides = array<i32>} : memref<128x128xf32, #tpu.memory_space<vmem>>, vector<1x16xf32>,
      %broadcast_in_dim3A_66 = arith.constant 0.000000e+00 : f32
      %broadcast_in_dim3A_67 = vector.broadcast %broadcast_in_dim3A_66 : f32 to vector<16xf32>
      %swap3A_68 = arith.index_cast %scan3A_25 : i32 to index
      %swap3A_69 = arith.constant 96 : index
      %swap3A_70 = tpu.vector_load %arg7[%swap3A_68, %swap3A_69] {strides = array<i32>} : memref<128x128xf32, #tpu.memory_space<vmem>>, vector<1x16xf32>,
      %swap3A_71 = vector.shape_cast %swap3A_70 : vector<1x16xf32> to vector<16xf32>
      %swap3A_72 = vector.shape_cast %broadcast_in_dim3A_67 : vector<16xf32> to vector<1x16xf32>
      tpu.vector_store %arg7[%swap3A_68, %swap3A_69], %swap3A_72 {strides = array<i32>} : memref<128x128xf32, #tpu.memory_space<vmem>>, vector<1x16xf32>,
      %broadcast_in_dim3A_73 = arith.constant 0.000000e+00 : f32
      %broadcast_in_dim3A_74 = vector.broadcast %broadcast_in_dim3A_73 : f32 to vector<16xf32>
      %swap3A_75 = arith.index_cast %scan3A_25 : i32 to index
      %swap3A_76 = arith.constant 112 : index
      %swap3A_77 = tpu.vector_load %arg7[%swap3A_75, %swap3A_76] {strides = array<i32>} : memref<128x128xf32, #tpu.memory_space<vmem>>, vector<1x16xf32>,
      %swap3A_78 = vector.shape_cast %swap3A_77 : vector<1x16xf32> to vector<16xf32>
      %swap3A_79 = vector.shape_cast %broadcast_in_dim3A_74 : vector<16xf32> to vector<1x16xf32>
      tpu.vector_store %arg7[%swap3A_75, %swap3A_76], %swap3A_79 {strides = array<i32>} : memref<128x128xf32, #tpu.memory_space<vmem>>, vector<1x16xf32>,
    }
    %scan3A_7 = arith.constant 128 : i32
    %add3A_8 = arith.constant 0 : i32
    %add3A_9 = arith.addi %mul3A_2, %add3A_8 : i32
    "tpu.region"() ({
      %run_scoped3A = tpu.sem_alloc : memref<!tpu.dma_semaphore, #tpu.memory_space<semaphore_mem>>
      %dma_start3A = arith.constant 0 : i32
      %dma_start3A_25 = tpu.memref_slice %arg9[%add3A_9, %dma_start3A] : memref<10240x128xf32, #tpu.memory_space<vmem_shared>> -> memref<128x128xf32, #tpu.memory_space<vmem_shared>>
      %dma_start3A_26 = arith.constant 0 : i32
      %dma_start3A_27 = tpu.memref_slice %arg9[%add3A_9, %dma_start3A_26] : memref<10240x128xf32, #tpu.memory_space<vmem_shared>> -> memref<128x128xf32, #tpu.memory_space<vmem_shared>>
      tpu.enqueue_dma source(%arg7 : memref<128x128xf32, #tpu.memory_space<vmem>>) target(%dma_start3A_27 : memref<128x128xf32, #tpu.memory_space<vmem_shared>>) target_semaphore(%run_scoped3A : memref<!tpu.dma_semaphore, #tpu.memory_space<semaphore_mem>>)
      %dma_wait3A = arith.constant 0 : i32
      %dma_wait3A_28 = tpu.memref_slice %arg9[%add3A_9, %dma_wait3A] : memref<10240x128xf32, #tpu.memory_space<vmem_shared>> -> memref<128x128xf32, #tpu.memory_space<vmem_shared>>
      %dma_wait3A_29 = arith.constant 0 : i32
      %dma_wait3A_30 = tpu.memref_slice %arg9[%add3A_9, %dma_wait3A_29] : memref<10240x128xf32, #tpu.memory_space<vmem_shared>> -> memref<128x128xf32, #tpu.memory_space<vmem_shared>>
      tpu.wait_dma2 semaphore(%run_scoped3A : memref<!tpu.dma_semaphore, #tpu.memory_space<semaphore_mem>>) src(%arg7 : memref<128x128xf32, #tpu.memory_space<vmem>>) dst(%dma_wait3A_30 : memref<128x128xf32, #tpu.memory_space<vmem_shared>>)
      tpu.yield
    }) : () -> ()
    %add3A_10 = arith.constant 128 : i32
    %add3A_11 = arith.addi %mul3A_2, %add3A_10 : i32
    "tpu.region"() ({
      %run_scoped3A = tpu.sem_alloc : memref<!tpu.dma_semaphore, #tpu.memory_space<semaphore_mem>>
      %dma_start3A = arith.constant 0 : i32
      %dma_start3A_25 = tpu.memref_slice %arg9[%add3A_11, %dma_start3A] : memref<10240x128xf32, #tpu.memory_space<vmem_shared>> -> memref<128x128xf32, #tpu.memory_space<vmem_shared>>
      %dma_start3A_26 = arith.constant 0 : i32
      %dma_start3A_27 = tpu.memref_slice %arg9[%add3A_11, %dma_start3A_26] : memref<10240x128xf32, #tpu.memory_space<vmem_shared>> -> memref<128x128xf32, #tpu.memory_space<vmem_shared>>
      tpu.enqueue_dma source(%arg7 : memref<128x128xf32, #tpu.memory_space<vmem>>) target(%dma_start3A_27 : memref<128x128xf32, #tpu.memory_space<vmem_shared>>) target_semaphore(%run_scoped3A : memref<!tpu.dma_semaphore, #tpu.memory_space<semaphore_mem>>)
      %dma_wait3A = arith.constant 0 : i32
      %dma_wait3A_28 = tpu.memref_slice %arg9[%add3A_11, %dma_wait3A] : memref<10240x128xf32, #tpu.memory_space<vmem_shared>> -> memref<128x128xf32, #tpu.memory_space<vmem_shared>>
      %dma_wait3A_29 = arith.constant 0 : i32
      %dma_wait3A_30 = tpu.memref_slice %arg9[%add3A_11, %dma_wait3A_29] : memref<10240x128xf32, #tpu.memory_space<vmem_shared>> -> memref<128x128xf32, #tpu.memory_space<vmem_shared>>
      tpu.wait_dma2 semaphore(%run_scoped3A : memref<!tpu.dma_semaphore, #tpu.memory_space<semaphore_mem>>) src(%arg7 : memref<128x128xf32, #tpu.memory_space<vmem>>) dst(%dma_wait3A_30 : memref<128x128xf32, #tpu.memory_space<vmem_shared>>)
      tpu.yield
    }) : () -> ()
    %add3A_12 = arith.constant 256 : i32
    %add3A_13 = arith.addi %mul3A_2, %add3A_12 : i32
    "tpu.region"() ({
      %run_scoped3A = tpu.sem_alloc : memref<!tpu.dma_semaphore, #tpu.memory_space<semaphore_mem>>
      %dma_start3A = arith.constant 0 : i32
      %dma_start3A_25 = tpu.memref_slice %arg9[%add3A_13, %dma_start3A] : memref<10240x128xf32, #tpu.memory_space<vmem_shared>> -> memref<128x128xf32, #tpu.memory_space<vmem_shared>>
      %dma_start3A_26 = arith.constant 0 : i32
      %dma_start3A_27 = tpu.memref_slice %arg9[%add3A_13, %dma_start3A_26] : memref<10240x128xf32, #tpu.memory_space<vmem_shared>> -> memref<128x128xf32, #tpu.memory_space<vmem_shared>>
      tpu.enqueue_dma source(%arg7 : memref<128x128xf32, #tpu.memory_space<vmem>>) target(%dma_start3A_27 : memref<128x128xf32, #tpu.memory_space<vmem_shared>>) target_semaphore(%run_scoped3A : memref<!tpu.dma_semaphore, #tpu.memory_space<semaphore_mem>>)
      %dma_wait3A = arith.constant 0 : i32
      %dma_wait3A_28 = tpu.memref_slice %arg9[%add3A_13, %dma_wait3A] : memref<10240x128xf32, #tpu.memory_space<vmem_shared>> -> memref<128x128xf32, #tpu.memory_space<vmem_shared>>
      %dma_wait3A_29 = arith.constant 0 : i32
      %dma_wait3A_30 = tpu.memref_slice %arg9[%add3A_13, %dma_wait3A_29] : memref<10240x128xf32, #tpu.memory_space<vmem_shared>> -> memref<128x128xf32, #tpu.memory_space<vmem_shared>>
      tpu.wait_dma2 semaphore(%run_scoped3A : memref<!tpu.dma_semaphore, #tpu.memory_space<semaphore_mem>>) src(%arg7 : memref<128x128xf32, #tpu.memory_space<vmem>>) dst(%dma_wait3A_30 : memref<128x128xf32, #tpu.memory_space<vmem_shared>>)
      tpu.yield
    }) : () -> ()
    %add3A_14 = arith.constant 384 : i32
    %add3A_15 = arith.addi %mul3A_2, %add3A_14 : i32
    "tpu.region"() ({
      %run_scoped3A = tpu.sem_alloc : memref<!tpu.dma_semaphore, #tpu.memory_space<semaphore_mem>>
      %dma_start3A = arith.constant 0 : i32
      %dma_start3A_25 = tpu.memref_slice %arg9[%add3A_15, %dma_start3A] : memref<10240x128xf32, #tpu.memory_space<vmem_shared>> -> memref<128x128xf32, #tpu.memory_space<vmem_shared>>
      %dma_start3A_26 = arith.constant 0 : i32
      %dma_start3A_27 = tpu.memref_slice %arg9[%add3A_15, %dma_start3A_26] : memref<10240x128xf32, #tpu.memory_space<vmem_shared>> -> memref<128x128xf32, #tpu.memory_space<vmem_shared>>
      tpu.enqueue_dma source(%arg7 : memref<128x128xf32, #tpu.memory_space<vmem>>) target(%dma_start3A_27 : memref<128x128xf32, #tpu.memory_space<vmem_shared>>) target_semaphore(%run_scoped3A : memref<!tpu.dma_semaphore, #tpu.memory_space<semaphore_mem>>)
      %dma_wait3A = arith.constant 0 : i32
      %dma_wait3A_28 = tpu.memref_slice %arg9[%add3A_15, %dma_wait3A] : memref<10240x128xf32, #tpu.memory_space<vmem_shared>> -> memref<128x128xf32, #tpu.memory_space<vmem_shared>>
      %dma_wait3A_29 = arith.constant 0 : i32
      %dma_wait3A_30 = tpu.memref_slice %arg9[%add3A_15, %dma_wait3A_29] : memref<10240x128xf32, #tpu.memory_space<vmem_shared>> -> memref<128x128xf32, #tpu.memory_space<vmem_shared>>
      tpu.wait_dma2 semaphore(%run_scoped3A : memref<!tpu.dma_semaphore, #tpu.memory_space<semaphore_mem>>) src(%arg7 : memref<128x128xf32, #tpu.memory_space<vmem>>) dst(%dma_wait3A_30 : memref<128x128xf32, #tpu.memory_space<vmem_shared>>)
      tpu.yield
    }) : () -> ()
    %add3A_16 = arith.constant 512 : i32
    %add3A_17 = arith.addi %mul3A_2, %add3A_16 : i32
    "tpu.region"() ({
      %run_scoped3A = tpu.sem_alloc : memref<!tpu.dma_semaphore, #tpu.memory_space<semaphore_mem>>
      %dma_start3A = arith.constant 0 : i32
      %dma_start3A_25 = tpu.memref_slice %arg9[%add3A_17, %dma_start3A] : memref<10240x128xf32, #tpu.memory_space<vmem_shared>> -> memref<128x128xf32, #tpu.memory_space<vmem_shared>>
      %dma_start3A_26 = arith.constant 0 : i32
      %dma_start3A_27 = tpu.memref_slice %arg9[%add3A_17, %dma_start3A_26] : memref<10240x128xf32, #tpu.memory_space<vmem_shared>> -> memref<128x128xf32, #tpu.memory_space<vmem_shared>>
      tpu.enqueue_dma source(%arg7 : memref<128x128xf32, #tpu.memory_space<vmem>>) target(%dma_start3A_27 : memref<128x128xf32, #tpu.memory_space<vmem_shared>>) target_semaphore(%run_scoped3A : memref<!tpu.dma_semaphore, #tpu.memory_space<semaphore_mem>>)
      %dma_wait3A = arith.constant 0 : i32
      %dma_wait3A_28 = tpu.memref_slice %arg9[%add3A_17, %dma_wait3A] : memref<10240x128xf32, #tpu.memory_space<vmem_shared>> -> memref<128x128xf32, #tpu.memory_space<vmem_shared>>
      %dma_wait3A_29 = arith.constant 0 : i32
      %dma_wait3A_30 = tpu.memref_slice %arg9[%add3A_17, %dma_wait3A_29] : memref<10240x128xf32, #tpu.memory_space<vmem_shared>> -> memref<128x128xf32, #tpu.memory_space<vmem_shared>>
      tpu.wait_dma2 semaphore(%run_scoped3A : memref<!tpu.dma_semaphore, #tpu.memory_space<semaphore_mem>>) src(%arg7 : memref<128x128xf32, #tpu.memory_space<vmem>>) dst(%dma_wait3A_30 : memref<128x128xf32, #tpu.memory_space<vmem_shared>>)
      tpu.yield
    }) : () -> ()
    %barrier3A = arith.constant 0 : index
    tpu.barrier barrier_id(%barrier3A)
    %scan3A_18 = arith.constant 0 : i32
    %scan3A_19 = arith.constant 0 : i32
    %scan3A_20 = arith.constant 2 : i32
    %scan3A_21 = arith.addi %scan3A_19, %scan3A_20 : i32
    %scan3A_22 = arith.constant 1 : i32
    scf.for %scan3A_25 = %scan3A_19 to %scan3A_21 step %scan3A_22  : i32 {
      %mul3A_26 = arith.constant 40 : i32
      %mul3A_27 = arith.muli %scan3A_25, %mul3A_26 : i32
      %run_scoped3A = arith.constant 0 : i32
      "tpu.region"() ({
        %run_scoped3A_43 = tpu.sem_alloc : memref<!tpu.dma_semaphore, #tpu.memory_space<semaphore_mem>>
        %dma_start3A_44 = arith.constant 0 : i32
        %dma_start3A_45 = tpu.memref_slice %arg3[%run_scoped3A, %add3A, %mul3A_27, %dma_start3A_44] : memref<2x32x80x128xi32, #tpu.memory_space<hbm>> -> memref<1x1x40x128xi32, #tpu.memory_space<hbm>>
        %dma_start3A_46 = tpu.memref_squeeze %dma_start3A_45 : memref<1x1x40x128xi32, #tpu.memory_space<hbm>> -> memref<40x128xi32, #tpu.memory_space<hbm>>
        %dma_start3A_47 = arith.constant 0 : i32
        %dma_start3A_48 = tpu.memref_slice %arg3[%run_scoped3A, %add3A, %mul3A_27, %dma_start3A_47] : memref<2x32x80x128xi32, #tpu.memory_space<hbm>> -> memref<1x1x40x128xi32, #tpu.memory_space<hbm>>
        %dma_start3A_49 = tpu.memref_squeeze %dma_start3A_48 : memref<1x1x40x128xi32, #tpu.memory_space<hbm>> -> memref<40x128xi32, #tpu.memory_space<hbm>>
        tpu.enqueue_dma source(%dma_start3A_49 : memref<40x128xi32, #tpu.memory_space<hbm>>) target(%arg5 : memref<40x128xi32, #tpu.memory_space<vmem>>) target_semaphore(%run_scoped3A_43 : memref<!tpu.dma_semaphore, #tpu.memory_space<semaphore_mem>>)
        %dma_wait3A = arith.constant 0 : i32
        %dma_wait3A_50 = tpu.memref_slice %arg3[%run_scoped3A, %add3A, %mul3A_27, %dma_wait3A] : memref<2x32x80x128xi32, #tpu.memory_space<hbm>> -> memref<1x1x40x128xi32, #tpu.memory_space<hbm>>
        %dma_wait3A_51 = tpu.memref_squeeze %dma_wait3A_50 : memref<1x1x40x128xi32, #tpu.memory_space<hbm>> -> memref<40x128xi32, #tpu.memory_space<hbm>>
        %dma_wait3A_52 = arith.constant 0 : i32
        %dma_wait3A_53 = tpu.memref_slice %arg3[%run_scoped3A, %add3A, %mul3A_27, %dma_wait3A_52] : memref<2x32x80x128xi32, #tpu.memory_space<hbm>> -> memref<1x1x40x128xi32, #tpu.memory_space<hbm>>
        %dma_wait3A_54 = tpu.memref_squeeze %dma_wait3A_53 : memref<1x1x40x128xi32, #tpu.memory_space<hbm>> -> memref<40x128xi32, #tpu.memory_space<hbm>>
        tpu.wait_dma2 semaphore(%run_scoped3A_43 : memref<!tpu.dma_semaphore, #tpu.memory_space<semaphore_mem>>) src(%dma_wait3A_54 : memref<40x128xi32, #tpu.memory_space<hbm>>) dst(%arg5 : memref<40x128xi32, #tpu.memory_space<vmem>>)
        tpu.yield
      }) : () -> ()
      %mul3A_28 = arith.constant 40 : i32
      %mul3A_29 = arith.muli %scan3A_25, %mul3A_28 : i32
      %run_scoped3A_30 = arith.constant 1 : i32
      "tpu.region"() ({
        %run_scoped3A_43 = tpu.sem_alloc : memref<!tpu.dma_semaphore, #tpu.memory_space<semaphore_mem>>
        %dma_start3A_44 = arith.constant 0 : i32
        %dma_start3A_45 = tpu.memref_slice %arg3[%run_scoped3A_30, %add3A, %mul3A_29, %dma_start3A_44] : memref<2x32x80x128xi32, #tpu.memory_space<hbm>> -> memref<1x1x40x128xi32, #tpu.memory_space<hbm>>
        %dma_start3A_46 = tpu.memref_squeeze %dma_start3A_45 : memref<1x1x40x128xi32, #tpu.memory_space<hbm>> -> memref<40x128xi32, #tpu.memory_space<hbm>>
        %dma_start3A_47 = arith.constant 0 : i32
        %dma_start3A_48 = tpu.memref_slice %arg3[%run_scoped3A_30, %add3A, %mul3A_29, %dma_start3A_47] : memref<2x32x80x128xi32, #tpu.memory_space<hbm>> -> memref<1x1x40x128xi32, #tpu.memory_space<hbm>>
        %dma_start3A_49 = tpu.memref_squeeze %dma_start3A_48 : memref<1x1x40x128xi32, #tpu.memory_space<hbm>> -> memref<40x128xi32, #tpu.memory_space<hbm>>
        tpu.enqueue_dma source(%dma_start3A_49 : memref<40x128xi32, #tpu.memory_space<hbm>>) target(%arg6 : memref<40x128xi32, #tpu.memory_space<vmem>>) target_semaphore(%run_scoped3A_43 : memref<!tpu.dma_semaphore, #tpu.memory_space<semaphore_mem>>)
        %dma_wait3A = arith.constant 0 : i32
        %dma_wait3A_50 = tpu.memref_slice %arg3[%run_scoped3A_30, %add3A, %mul3A_29, %dma_wait3A] : memref<2x32x80x128xi32, #tpu.memory_space<hbm>> -> memref<1x1x40x128xi32, #tpu.memory_space<hbm>>
        %dma_wait3A_51 = tpu.memref_squeeze %dma_wait3A_50 : memref<1x1x40x128xi32, #tpu.memory_space<hbm>> -> memref<40x128xi32, #tpu.memory_space<hbm>>
        %dma_wait3A_52 = arith.constant 0 : i32
        %dma_wait3A_53 = tpu.memref_slice %arg3[%run_scoped3A_30, %add3A, %mul3A_29, %dma_wait3A_52] : memref<2x32x80x128xi32, #tpu.memory_space<hbm>> -> memref<1x1x40x128xi32, #tpu.memory_space<hbm>>
        %dma_wait3A_54 = tpu.memref_squeeze %dma_wait3A_53 : memref<1x1x40x128xi32, #tpu.memory_space<hbm>> -> memref<40x128xi32, #tpu.memory_space<hbm>>
        tpu.wait_dma2 semaphore(%run_scoped3A_43 : memref<!tpu.dma_semaphore, #tpu.memory_space<semaphore_mem>>) src(%dma_wait3A_54 : memref<40x128xi32, #tpu.memory_space<hbm>>) dst(%arg6 : memref<40x128xi32, #tpu.memory_space<vmem>>)
        tpu.yield
      }) : () -> ()
      %dma_start3A = arith.constant 0 : i32
      %dma_start3A_31 = arith.constant 0 : i32
      %dma_start3A_32 = tpu.memref_slice %arg5[%dma_start3A, %dma_start3A_31] : memref<40x128xi32, #tpu.memory_space<vmem>> -> memref<1x128xi32, #tpu.memory_space<vmem>>
      %dma_start3A_33 = tpu.memref_squeeze %dma_start3A_32 : memref<1x128xi32, #tpu.memory_space<vmem>> -> memref<128xi32, #tpu.memory_space<vmem>>
      %dma_start3A_34 = arith.constant 0 : i32
      %dma_start3A_35 = arith.constant 0 : i32
      %dma_start3A_36 = tpu.memref_slice %arg2[%dma_start3A_34, %dma_start3A_35] : memref<10240x128xf32, #tpu.memory_space<hbm>> -> memref<10240x128xf32, #tpu.memory_space<hbm>>
      tpu.enqueue_indirect_dma source(%dma_start3A_36 : memref<10240x128xf32, #tpu.memory_space<hbm>>) target(%arg7 : memref<128x128xf32, #tpu.memory_space<vmem>>) offsets(%dma_start3A_33 : memref<128xi32, #tpu.memory_space<vmem>>) semaphore(%arg10 : memref<!tpu.dma_semaphore, #tpu.memory_space<semaphore_mem>>)
      %scan3A_37 = arith.constant 0 : i32
      %scan3A_38 = arith.constant 0 : i32
      %scan3A_39 = arith.constant 20 : i32
      %scan3A_40 = arith.addi %scan3A_38, %scan3A_39 : i32
      %scan3A_41 = arith.constant 1 : i32
      scf.for %scan3A_43 = %scan3A_38 to %scan3A_40 step %scan3A_41  : i32 {
        %mul3A_44 = arith.constant 2 : i32
        %mul3A_45 = arith.muli %mul3A_44, %scan3A_43 : i32
        %add3A_46 = arith.constant 1 : i32
        %add3A_47 = arith.addi %mul3A_45, %add3A_46 : i32
        %dma_wait3A = arith.constant 0 : i32
        %dma_wait3A_48 = tpu.memref_slice %arg5[%mul3A_45, %dma_wait3A] : memref<40x128xi32, #tpu.memory_space<vmem>> -> memref<1x128xi32, #tpu.memory_space<vmem>>
        %dma_wait3A_49 = tpu.memref_squeeze %dma_wait3A_48 : memref<1x128xi32, #tpu.memory_space<vmem>> -> memref<128xi32, #tpu.memory_space<vmem>>
        %dma_wait3A_50 = arith.constant 0 : i32
        %dma_wait3A_51 = arith.constant 0 : i32
        %dma_wait3A_52 = tpu.memref_slice %arg2[%dma_wait3A_50, %dma_wait3A_51] : memref<10240x128xf32, #tpu.memory_space<hbm>> -> memref<10240x128xf32, #tpu.memory_space<hbm>>
        tpu.wait_indirect_dma semaphore(%arg10 : memref<!tpu.dma_semaphore, #tpu.memory_space<semaphore_mem>>) src(%dma_wait3A_52 : memref<10240x128xf32, #tpu.memory_space<hbm>>) dst(%arg7 : memref<128x128xf32, #tpu.memory_space<vmem>>)
        %dma_start3A_53 = arith.constant 0 : i32
        %dma_start3A_54 = tpu.memref_slice %arg5[%add3A_47, %dma_start3A_53] : memref<40x128xi32, #tpu.memory_space<vmem>> -> memref<1x128xi32, #tpu.memory_space<vmem>>
        %dma_start3A_55 = tpu.memref_squeeze %dma_start3A_54 : memref<1x128xi32, #tpu.memory_space<vmem>> -> memref<128xi32, #tpu.memory_space<vmem>>
        %dma_start3A_56 = arith.constant 0 : i32
        %dma_start3A_57 = arith.constant 0 : i32
        %dma_start3A_58 = tpu.memref_slice %arg2[%dma_start3A_56, %dma_start3A_57] : memref<10240x128xf32, #tpu.memory_space<hbm>> -> memref<10240x128xf32, #tpu.memory_space<hbm>>
        tpu.enqueue_indirect_dma source(%dma_start3A_58 : memref<10240x128xf32, #tpu.memory_space<hbm>>) target(%arg8 : memref<128x128xf32, #tpu.memory_space<vmem>>) offsets(%dma_start3A_55 : memref<128xi32, #tpu.memory_space<vmem>>) semaphore(%arg11 : memref<!tpu.dma_semaphore, #tpu.memory_space<semaphore_mem>>)
        %dma_start3A_59 = arith.constant 0 : i32
        %dma_start3A_60 = tpu.memref_slice %arg6[%mul3A_45, %dma_start3A_59] : memref<40x128xi32, #tpu.memory_space<vmem>> -> memref<1x128xi32, #tpu.memory_space<vmem>>
        %dma_start3A_61 = tpu.memref_squeeze %dma_start3A_60 : memref<1x128xi32, #tpu.memory_space<vmem>> -> memref<128xi32, #tpu.memory_space<vmem>>
        %dma_start3A_62 = arith.constant 0 : i32
        %dma_start3A_63 = arith.constant 0 : i32
        %dma_start3A_64 = tpu.memref_slice %arg9[%dma_start3A_62, %dma_start3A_63] : memref<10240x128xf32, #tpu.memory_space<vmem_shared>> -> memref<10240x128xf32, #tpu.memory_space<vmem_shared>>
        tpu.enqueue_indirect_dma source(%arg7 : memref<128x128xf32, #tpu.memory_space<vmem>>) target(%dma_start3A_64 : memref<10240x128xf32, #tpu.memory_space<vmem_shared>>) offsets(%dma_start3A_61 : memref<128xi32, #tpu.memory_space<vmem>>) semaphore(%arg12 : memref<!tpu.dma_semaphore, #tpu.memory_space<semaphore_mem>>) {add = true}
        %dma_wait3A_65 = arith.constant 0 : i32
        %dma_wait3A_66 = tpu.memref_slice %arg5[%add3A_47, %dma_wait3A_65] : memref<40x128xi32, #tpu.memory_space<vmem>> -> memref<1x128xi32, #tpu.memory_space<vmem>>
        %dma_wait3A_67 = tpu.memref_squeeze %dma_wait3A_66 : memref<1x128xi32, #tpu.memory_space<vmem>> -> memref<128xi32, #tpu.memory_space<vmem>>
        %dma_wait3A_68 = arith.constant 0 : i32
        %dma_wait3A_69 = arith.constant 0 : i32
        %dma_wait3A_70 = tpu.memref_slice %arg2[%dma_wait3A_68, %dma_wait3A_69] : memref<10240x128xf32, #tpu.memory_space<hbm>> -> memref<10240x128xf32, #tpu.memory_space<hbm>>
        tpu.wait_indirect_dma semaphore(%arg11 : memref<!tpu.dma_semaphore, #tpu.memory_space<semaphore_mem>>) src(%dma_wait3A_70 : memref<10240x128xf32, #tpu.memory_space<hbm>>) dst(%arg8 : memref<128x128xf32, #tpu.memory_space<vmem>>)
        %dma_start3A_71 = arith.constant 0 : i32
        %dma_start3A_72 = tpu.memref_slice %arg6[%add3A_47, %dma_start3A_71] : memref<40x128xi32, #tpu.memory_space<vmem>> -> memref<1x128xi32, #tpu.memory_space<vmem>>
        %dma_start3A_73 = tpu.memref_squeeze %dma_start3A_72 : memref<1x128xi32, #tpu.memory_space<vmem>> -> memref<128xi32, #tpu.memory_space<vmem>>
        %dma_start3A_74 = arith.constant 0 : i32
        %dma_start3A_75 = arith.constant 0 : i32
        %dma_start3A_76 = tpu.memref_slice %arg9[%dma_start3A_74, %dma_start3A_75] : memref<10240x128xf32, #tpu.memory_space<vmem_shared>> -> memref<10240x128xf32, #tpu.memory_space<vmem_shared>>
        tpu.enqueue_indirect_dma source(%arg8 : memref<128x128xf32, #tpu.memory_space<vmem>>) target(%dma_start3A_76 : memref<10240x128xf32, #tpu.memory_space<vmem_shared>>) offsets(%dma_start3A_73 : memref<128xi32, #tpu.memory_space<vmem>>) semaphore(%arg13 : memref<!tpu.dma_semaphore, #tpu.memory_space<semaphore_mem>>) {add = true}
        %dma_wait3A_77 = arith.constant 0 : i32
        %dma_wait3A_78 = tpu.memref_slice %arg6[%mul3A_45, %dma_wait3A_77] : memref<40x128xi32, #tpu.memory_space<vmem>> -> memref<1x128xi32, #tpu.memory_space<vmem>>
        %dma_wait3A_79 = tpu.memref_squeeze %dma_wait3A_78 : memref<1x128xi32, #tpu.memory_space<vmem>> -> memref<128xi32, #tpu.memory_space<vmem>>
        %dma_wait3A_80 = arith.constant 0 : i32
        %dma_wait3A_81 = arith.constant 0 : i32
        %dma_wait3A_82 = tpu.memref_slice %arg9[%dma_wait3A_80, %dma_wait3A_81] : memref<10240x128xf32, #tpu.memory_space<vmem_shared>> -> memref<10240x128xf32, #tpu.memory_space<vmem_shared>>
        tpu.wait_indirect_dma semaphore(%arg12 : memref<!tpu.dma_semaphore, #tpu.memory_space<semaphore_mem>>) src(%arg7 : memref<128x128xf32, #tpu.memory_space<vmem>>) dst(%dma_wait3A_82 : memref<10240x128xf32, #tpu.memory_space<vmem_shared>>)
        %lt3A = arith.constant 19 : i32
        %lt3A_83 = arith.cmpi slt, %scan3A_43, %lt3A : i32
        %convert_element_type3A = arith.extui %lt3A_83 : i1 to i32
        %cond3A = arith.constant 0 : i32
        %cond3A_84 = arith.cmpi ne, %convert_element_type3A, %cond3A : i32
        scf.if %cond3A_84 {
          %add3A_91 = arith.constant 2 : i32
          %add3A_92 = arith.addi %mul3A_45, %add3A_91 : i32
          %dma_start3A_93 = arith.constant 0 : i32
          %dma_start3A_94 = tpu.memref_slice %arg5[%add3A_92, %dma_start3A_93] : memref<40x128xi32, #tpu.memory_space<vmem>> -> memref<1x128xi32, #tpu.memory_space<vmem>>
          %dma_start3A_95 = tpu.memref_squeeze %dma_start3A_94 : memref<1x128xi32, #tpu.memory_space<vmem>> -> memref<128xi32, #tpu.memory_space<vmem>>
          %dma_start3A_96 = arith.constant 0 : i32
          %dma_start3A_97 = arith.constant 0 : i32
          %dma_start3A_98 = tpu.memref_slice %arg2[%dma_start3A_96, %dma_start3A_97] : memref<10240x128xf32, #tpu.memory_space<hbm>> -> memref<10240x128xf32, #tpu.memory_space<hbm>>
          tpu.enqueue_indirect_dma source(%dma_start3A_98 : memref<10240x128xf32, #tpu.memory_space<hbm>>) target(%arg7 : memref<128x128xf32, #tpu.memory_space<vmem>>) offsets(%dma_start3A_95 : memref<128xi32, #tpu.memory_space<vmem>>) semaphore(%arg10 : memref<!tpu.dma_semaphore, #tpu.memory_space<semaphore_mem>>)
        } else {
        }
        %dma_wait3A_85 = arith.constant 0 : i32
        %dma_wait3A_86 = tpu.memref_slice %arg6[%add3A_47, %dma_wait3A_85] : memref<40x128xi32, #tpu.memory_space<vmem>> -> memref<1x128xi32, #tpu.memory_space<vmem>>
        %dma_wait3A_87 = tpu.memref_squeeze %dma_wait3A_86 : memref<1x128xi32, #tpu.memory_space<vmem>> -> memref<128xi32, #tpu.memory_space<vmem>>
        %dma_wait3A_88 = arith.constant 0 : i32
        %dma_wait3A_89 = arith.constant 0 : i32
        %dma_wait3A_90 = tpu.memref_slice %arg9[%dma_wait3A_88, %dma_wait3A_89] : memref<10240x128xf32, #tpu.memory_space<vmem_shared>> -> memref<10240x128xf32, #tpu.memory_space<vmem_shared>>
        tpu.wait_indirect_dma semaphore(%arg13 : memref<!tpu.dma_semaphore, #tpu.memory_space<semaphore_mem>>) src(%arg8 : memref<128x128xf32, #tpu.memory_space<vmem>>) dst(%dma_wait3A_90 : memref<10240x128xf32, #tpu.memory_space<vmem_shared>>)
      }
      %scan3A_42 = arith.constant 20 : i32
    }
    %scan3A_23 = arith.constant 2 : i32
    %barrier3A_24 = arith.constant 0 : index
    tpu.barrier barrier_id(%barrier3A_24)
    "tpu.region"() ({
      %run_scoped3A = tpu.sem_alloc : memref<!tpu.dma_semaphore, #tpu.memory_space<semaphore_mem>>
      %dma_start3A = arith.constant 0 : i32
      %dma_start3A_25 = tpu.memref_slice %arg4[%arg0, %mul3A_2, %dma_start3A] : memref<2x10240x128xf32, #tpu.memory_space<hbm>> -> memref<1x640x128xf32, #tpu.memory_space<hbm>>
      %dma_start3A_26 = tpu.memref_squeeze %dma_start3A_25 : memref<1x640x128xf32, #tpu.memory_space<hbm>> -> memref<640x128xf32, #tpu.memory_space<hbm>>
      %dma_start3A_27 = arith.constant 0 : i32
      %dma_start3A_28 = tpu.memref_slice %arg9[%mul3A_2, %dma_start3A_27] : memref<10240x128xf32, #tpu.memory_space<vmem_shared>> -> memref<640x128xf32, #tpu.memory_space<vmem_shared>>
      tpu.enqueue_dma source(%dma_start3A_28 : memref<640x128xf32, #tpu.memory_space<vmem_shared>>) target(%dma_start3A_26 : memref<640x128xf32, #tpu.memory_space<hbm>>) target_semaphore(%run_scoped3A : memref<!tpu.dma_semaphore, #tpu.memory_space<semaphore_mem>>)
      %dma_wait3A = arith.constant 0 : i32
      %dma_wait3A_29 = tpu.memref_slice %arg4[%arg0, %mul3A_2, %dma_wait3A] : memref<2x10240x128xf32, #tpu.memory_space<hbm>> -> memref<1x640x128xf32, #tpu.memory_space<hbm>>
      %dma_wait3A_30 = tpu.memref_squeeze %dma_wait3A_29 : memref<1x640x128xf32, #tpu.memory_space<hbm>> -> memref<640x128xf32, #tpu.memory_space<hbm>>
      %dma_wait3A_31 = arith.constant 0 : i32
      %dma_wait3A_32 = tpu.memref_slice %arg9[%mul3A_2, %dma_wait3A_31] : memref<10240x128xf32, #tpu.memory_space<vmem_shared>> -> memref<640x128xf32, #tpu.memory_space<vmem_shared>>
      tpu.wait_dma2 semaphore(%run_scoped3A : memref<!tpu.dma_semaphore, #tpu.memory_space<semaphore_mem>>) src(%dma_wait3A_32 : memref<640x128xf32, #tpu.memory_space<vmem_shared>>) dst(%dma_wait3A_30 : memref<640x128xf32, #tpu.memory_space<hbm>>)
      tpu.yield
    }) : () -> ()
    return
  }
}

#map = affine_map<(d0, d1) -> (0, 0, 0, 0)>
#map1 = affine_map<(d0, d1) -> (0, 0, 0)>
module attributes {stable_mosaic.version = 14 : i64} {
  func.func @_deg_kernel(%arg0: i32, %arg1: i32, %arg2: memref<2x32x80x128xi32, #tpu.memory_space<hbm>>, %arg3: memref<2x10240x16xf32, #tpu.memory_space<hbm>>, %arg4: memref<80x128xi32, #tpu.memory_space<vmem>>, %arg5: memref<128x16xf32, #tpu.memory_space<vmem>>, %arg6: memref<128x16xf32, #tpu.memory_space<vmem>>, %arg7: memref<10240x16xf32, #tpu.memory_space<vmem_shared>>, %arg8: memref<!tpu.dma_semaphore, #tpu.memory_space<semaphore_mem>>) attributes {dimension_semantics = [#tpu.dimension_semantics<core_parallel>, #tpu.dimension_semantics<subcore_parallel>], iteration_bounds = array<i64: 2, 16>, scalar_prefetch = 0 : i64, scratch_operands = 5 : i64, tpu.core_type = #tpu.core_type<sc_vector_subcore>, window_params = [{transform_indices = #map}, {transform_indices = #map1}]} {
    %mul3A = arith.constant 16 : i32
    %mul3A_0 = arith.muli %arg0, %mul3A : i32
    %add3A = arith.addi %mul3A_0, %arg1 : i32
    %mul3A_1 = arith.constant 640 : i32
    %mul3A_2 = arith.muli %arg1, %mul3A_1 : i32
    %scan3A = arith.constant 0 : i32
    %scan3A_3 = arith.constant 0 : i32
    %scan3A_4 = arith.constant 128 : i32
    %scan3A_5 = arith.addi %scan3A_3, %scan3A_4 : i32
    %scan3A_6 = arith.constant 1 : i32
    scf.for %scan3A_31 = %scan3A_3 to %scan3A_5 step %scan3A_6  : i32 {
      %broadcast_in_dim3A = arith.constant 1.000000e+00 : f32
      %broadcast_in_dim3A_32 = vector.broadcast %broadcast_in_dim3A : f32 to vector<16xf32>
      %swap3A = arith.index_cast %scan3A_31 : i32 to index
      %swap3A_33 = arith.constant 0 : index
      %swap3A_34 = tpu.vector_load %arg5[%swap3A, %swap3A_33] {strides = array<i32>} : memref<128x16xf32, #tpu.memory_space<vmem>>, vector<1x16xf32>,
      %swap3A_35 = vector.shape_cast %swap3A_34 : vector<1x16xf32> to vector<16xf32>
      %swap3A_36 = vector.shape_cast %broadcast_in_dim3A_32 : vector<16xf32> to vector<1x16xf32>
      tpu.vector_store %arg5[%swap3A, %swap3A_33], %swap3A_36 {strides = array<i32>} : memref<128x16xf32, #tpu.memory_space<vmem>>, vector<1x16xf32>,
      %broadcast_in_dim3A_37 = arith.constant 0.000000e+00 : f32
      %broadcast_in_dim3A_38 = vector.broadcast %broadcast_in_dim3A_37 : f32 to vector<16xf32>
      %swap3A_39 = arith.index_cast %scan3A_31 : i32 to index
      %swap3A_40 = arith.constant 0 : index
      %swap3A_41 = tpu.vector_load %arg6[%swap3A_39, %swap3A_40] {strides = array<i32>} : memref<128x16xf32, #tpu.memory_space<vmem>>, vector<1x16xf32>,
      %swap3A_42 = vector.shape_cast %swap3A_41 : vector<1x16xf32> to vector<16xf32>
      %swap3A_43 = vector.shape_cast %broadcast_in_dim3A_38 : vector<16xf32> to vector<1x16xf32>
      tpu.vector_store %arg6[%swap3A_39, %swap3A_40], %swap3A_43 {strides = array<i32>} : memref<128x16xf32, #tpu.memory_space<vmem>>, vector<1x16xf32>,
    }
    %scan3A_7 = arith.constant 128 : i32
    %add3A_8 = arith.constant 0 : i32
    %add3A_9 = arith.addi %mul3A_2, %add3A_8 : i32
    "tpu.region"() ({
      %run_scoped3A_31 = tpu.sem_alloc : memref<!tpu.dma_semaphore, #tpu.memory_space<semaphore_mem>>
      %dma_start3A = arith.constant 0 : i32
      %dma_start3A_32 = tpu.memref_slice %arg7[%add3A_9, %dma_start3A] : memref<10240x16xf32, #tpu.memory_space<vmem_shared>> -> memref<128x16xf32, #tpu.memory_space<vmem_shared>>
      %dma_start3A_33 = arith.constant 0 : i32
      %dma_start3A_34 = tpu.memref_slice %arg7[%add3A_9, %dma_start3A_33] : memref<10240x16xf32, #tpu.memory_space<vmem_shared>> -> memref<128x16xf32, #tpu.memory_space<vmem_shared>>
      tpu.enqueue_dma source(%arg6 : memref<128x16xf32, #tpu.memory_space<vmem>>) target(%dma_start3A_34 : memref<128x16xf32, #tpu.memory_space<vmem_shared>>) target_semaphore(%run_scoped3A_31 : memref<!tpu.dma_semaphore, #tpu.memory_space<semaphore_mem>>)
      %dma_wait3A = arith.constant 0 : i32
      %dma_wait3A_35 = tpu.memref_slice %arg7[%add3A_9, %dma_wait3A] : memref<10240x16xf32, #tpu.memory_space<vmem_shared>> -> memref<128x16xf32, #tpu.memory_space<vmem_shared>>
      %dma_wait3A_36 = arith.constant 0 : i32
      %dma_wait3A_37 = tpu.memref_slice %arg7[%add3A_9, %dma_wait3A_36] : memref<10240x16xf32, #tpu.memory_space<vmem_shared>> -> memref<128x16xf32, #tpu.memory_space<vmem_shared>>
      tpu.wait_dma2 semaphore(%run_scoped3A_31 : memref<!tpu.dma_semaphore, #tpu.memory_space<semaphore_mem>>) src(%arg6 : memref<128x16xf32, #tpu.memory_space<vmem>>) dst(%dma_wait3A_37 : memref<128x16xf32, #tpu.memory_space<vmem_shared>>)
      tpu.yield
    }) : () -> ()
    %add3A_10 = arith.constant 128 : i32
    %add3A_11 = arith.addi %mul3A_2, %add3A_10 : i32
    "tpu.region"() ({
      %run_scoped3A_31 = tpu.sem_alloc : memref<!tpu.dma_semaphore, #tpu.memory_space<semaphore_mem>>
      %dma_start3A = arith.constant 0 : i32
      %dma_start3A_32 = tpu.memref_slice %arg7[%add3A_11, %dma_start3A] : memref<10240x16xf32, #tpu.memory_space<vmem_shared>> -> memref<128x16xf32, #tpu.memory_space<vmem_shared>>
      %dma_start3A_33 = arith.constant 0 : i32
      %dma_start3A_34 = tpu.memref_slice %arg7[%add3A_11, %dma_start3A_33] : memref<10240x16xf32, #tpu.memory_space<vmem_shared>> -> memref<128x16xf32, #tpu.memory_space<vmem_shared>>
      tpu.enqueue_dma source(%arg6 : memref<128x16xf32, #tpu.memory_space<vmem>>) target(%dma_start3A_34 : memref<128x16xf32, #tpu.memory_space<vmem_shared>>) target_semaphore(%run_scoped3A_31 : memref<!tpu.dma_semaphore, #tpu.memory_space<semaphore_mem>>)
      %dma_wait3A = arith.constant 0 : i32
      %dma_wait3A_35 = tpu.memref_slice %arg7[%add3A_11, %dma_wait3A] : memref<10240x16xf32, #tpu.memory_space<vmem_shared>> -> memref<128x16xf32, #tpu.memory_space<vmem_shared>>
      %dma_wait3A_36 = arith.constant 0 : i32
      %dma_wait3A_37 = tpu.memref_slice %arg7[%add3A_11, %dma_wait3A_36] : memref<10240x16xf32, #tpu.memory_space<vmem_shared>> -> memref<128x16xf32, #tpu.memory_space<vmem_shared>>
      tpu.wait_dma2 semaphore(%run_scoped3A_31 : memref<!tpu.dma_semaphore, #tpu.memory_space<semaphore_mem>>) src(%arg6 : memref<128x16xf32, #tpu.memory_space<vmem>>) dst(%dma_wait3A_37 : memref<128x16xf32, #tpu.memory_space<vmem_shared>>)
      tpu.yield
    }) : () -> ()
    %add3A_12 = arith.constant 256 : i32
    %add3A_13 = arith.addi %mul3A_2, %add3A_12 : i32
    "tpu.region"() ({
      %run_scoped3A_31 = tpu.sem_alloc : memref<!tpu.dma_semaphore, #tpu.memory_space<semaphore_mem>>
      %dma_start3A = arith.constant 0 : i32
      %dma_start3A_32 = tpu.memref_slice %arg7[%add3A_13, %dma_start3A] : memref<10240x16xf32, #tpu.memory_space<vmem_shared>> -> memref<128x16xf32, #tpu.memory_space<vmem_shared>>
      %dma_start3A_33 = arith.constant 0 : i32
      %dma_start3A_34 = tpu.memref_slice %arg7[%add3A_13, %dma_start3A_33] : memref<10240x16xf32, #tpu.memory_space<vmem_shared>> -> memref<128x16xf32, #tpu.memory_space<vmem_shared>>
      tpu.enqueue_dma source(%arg6 : memref<128x16xf32, #tpu.memory_space<vmem>>) target(%dma_start3A_34 : memref<128x16xf32, #tpu.memory_space<vmem_shared>>) target_semaphore(%run_scoped3A_31 : memref<!tpu.dma_semaphore, #tpu.memory_space<semaphore_mem>>)
      %dma_wait3A = arith.constant 0 : i32
      %dma_wait3A_35 = tpu.memref_slice %arg7[%add3A_13, %dma_wait3A] : memref<10240x16xf32, #tpu.memory_space<vmem_shared>> -> memref<128x16xf32, #tpu.memory_space<vmem_shared>>
      %dma_wait3A_36 = arith.constant 0 : i32
      %dma_wait3A_37 = tpu.memref_slice %arg7[%add3A_13, %dma_wait3A_36] : memref<10240x16xf32, #tpu.memory_space<vmem_shared>> -> memref<128x16xf32, #tpu.memory_space<vmem_shared>>
      tpu.wait_dma2 semaphore(%run_scoped3A_31 : memref<!tpu.dma_semaphore, #tpu.memory_space<semaphore_mem>>) src(%arg6 : memref<128x16xf32, #tpu.memory_space<vmem>>) dst(%dma_wait3A_37 : memref<128x16xf32, #tpu.memory_space<vmem_shared>>)
      tpu.yield
    }) : () -> ()
    %add3A_14 = arith.constant 384 : i32
    %add3A_15 = arith.addi %mul3A_2, %add3A_14 : i32
    "tpu.region"() ({
      %run_scoped3A_31 = tpu.sem_alloc : memref<!tpu.dma_semaphore, #tpu.memory_space<semaphore_mem>>
      %dma_start3A = arith.constant 0 : i32
      %dma_start3A_32 = tpu.memref_slice %arg7[%add3A_15, %dma_start3A] : memref<10240x16xf32, #tpu.memory_space<vmem_shared>> -> memref<128x16xf32, #tpu.memory_space<vmem_shared>>
      %dma_start3A_33 = arith.constant 0 : i32
      %dma_start3A_34 = tpu.memref_slice %arg7[%add3A_15, %dma_start3A_33] : memref<10240x16xf32, #tpu.memory_space<vmem_shared>> -> memref<128x16xf32, #tpu.memory_space<vmem_shared>>
      tpu.enqueue_dma source(%arg6 : memref<128x16xf32, #tpu.memory_space<vmem>>) target(%dma_start3A_34 : memref<128x16xf32, #tpu.memory_space<vmem_shared>>) target_semaphore(%run_scoped3A_31 : memref<!tpu.dma_semaphore, #tpu.memory_space<semaphore_mem>>)
      %dma_wait3A = arith.constant 0 : i32
      %dma_wait3A_35 = tpu.memref_slice %arg7[%add3A_15, %dma_wait3A] : memref<10240x16xf32, #tpu.memory_space<vmem_shared>> -> memref<128x16xf32, #tpu.memory_space<vmem_shared>>
      %dma_wait3A_36 = arith.constant 0 : i32
      %dma_wait3A_37 = tpu.memref_slice %arg7[%add3A_15, %dma_wait3A_36] : memref<10240x16xf32, #tpu.memory_space<vmem_shared>> -> memref<128x16xf32, #tpu.memory_space<vmem_shared>>
      tpu.wait_dma2 semaphore(%run_scoped3A_31 : memref<!tpu.dma_semaphore, #tpu.memory_space<semaphore_mem>>) src(%arg6 : memref<128x16xf32, #tpu.memory_space<vmem>>) dst(%dma_wait3A_37 : memref<128x16xf32, #tpu.memory_space<vmem_shared>>)
      tpu.yield
    }) : () -> ()
    %add3A_16 = arith.constant 512 : i32
    %add3A_17 = arith.addi %mul3A_2, %add3A_16 : i32
    "tpu.region"() ({
      %run_scoped3A_31 = tpu.sem_alloc : memref<!tpu.dma_semaphore, #tpu.memory_space<semaphore_mem>>
      %dma_start3A = arith.constant 0 : i32
      %dma_start3A_32 = tpu.memref_slice %arg7[%add3A_17, %dma_start3A] : memref<10240x16xf32, #tpu.memory_space<vmem_shared>> -> memref<128x16xf32, #tpu.memory_space<vmem_shared>>
      %dma_start3A_33 = arith.constant 0 : i32
      %dma_start3A_34 = tpu.memref_slice %arg7[%add3A_17, %dma_start3A_33] : memref<10240x16xf32, #tpu.memory_space<vmem_shared>> -> memref<128x16xf32, #tpu.memory_space<vmem_shared>>
      tpu.enqueue_dma source(%arg6 : memref<128x16xf32, #tpu.memory_space<vmem>>) target(%dma_start3A_34 : memref<128x16xf32, #tpu.memory_space<vmem_shared>>) target_semaphore(%run_scoped3A_31 : memref<!tpu.dma_semaphore, #tpu.memory_space<semaphore_mem>>)
      %dma_wait3A = arith.constant 0 : i32
      %dma_wait3A_35 = tpu.memref_slice %arg7[%add3A_17, %dma_wait3A] : memref<10240x16xf32, #tpu.memory_space<vmem_shared>> -> memref<128x16xf32, #tpu.memory_space<vmem_shared>>
      %dma_wait3A_36 = arith.constant 0 : i32
      %dma_wait3A_37 = tpu.memref_slice %arg7[%add3A_17, %dma_wait3A_36] : memref<10240x16xf32, #tpu.memory_space<vmem_shared>> -> memref<128x16xf32, #tpu.memory_space<vmem_shared>>
      tpu.wait_dma2 semaphore(%run_scoped3A_31 : memref<!tpu.dma_semaphore, #tpu.memory_space<semaphore_mem>>) src(%arg6 : memref<128x16xf32, #tpu.memory_space<vmem>>) dst(%dma_wait3A_37 : memref<128x16xf32, #tpu.memory_space<vmem_shared>>)
      tpu.yield
    }) : () -> ()
    %run_scoped3A = arith.constant 1 : i32
    "tpu.region"() ({
      %run_scoped3A_31 = tpu.sem_alloc : memref<!tpu.dma_semaphore, #tpu.memory_space<semaphore_mem>>
      %dma_start3A = arith.constant 0 : i32
      %dma_start3A_32 = arith.constant 0 : i32
      %dma_start3A_33 = tpu.memref_slice %arg2[%run_scoped3A, %add3A, %dma_start3A, %dma_start3A_32] : memref<2x32x80x128xi32, #tpu.memory_space<hbm>> -> memref<1x1x80x128xi32, #tpu.memory_space<hbm>>
      %dma_start3A_34 = tpu.memref_squeeze %dma_start3A_33 : memref<1x1x80x128xi32, #tpu.memory_space<hbm>> -> memref<80x128xi32, #tpu.memory_space<hbm>>
      %dma_start3A_35 = arith.constant 0 : i32
      %dma_start3A_36 = arith.constant 0 : i32
      %dma_start3A_37 = tpu.memref_slice %arg2[%run_scoped3A, %add3A, %dma_start3A_35, %dma_start3A_36] : memref<2x32x80x128xi32, #tpu.memory_space<hbm>> -> memref<1x1x80x128xi32, #tpu.memory_space<hbm>>
      %dma_start3A_38 = tpu.memref_squeeze %dma_start3A_37 : memref<1x1x80x128xi32, #tpu.memory_space<hbm>> -> memref<80x128xi32, #tpu.memory_space<hbm>>
      tpu.enqueue_dma source(%dma_start3A_38 : memref<80x128xi32, #tpu.memory_space<hbm>>) target(%arg4 : memref<80x128xi32, #tpu.memory_space<vmem>>) target_semaphore(%run_scoped3A_31 : memref<!tpu.dma_semaphore, #tpu.memory_space<semaphore_mem>>)
      %dma_wait3A = arith.constant 0 : i32
      %dma_wait3A_39 = arith.constant 0 : i32
      %dma_wait3A_40 = tpu.memref_slice %arg2[%run_scoped3A, %add3A, %dma_wait3A, %dma_wait3A_39] : memref<2x32x80x128xi32, #tpu.memory_space<hbm>> -> memref<1x1x80x128xi32, #tpu.memory_space<hbm>>
      %dma_wait3A_41 = tpu.memref_squeeze %dma_wait3A_40 : memref<1x1x80x128xi32, #tpu.memory_space<hbm>> -> memref<80x128xi32, #tpu.memory_space<hbm>>
      %dma_wait3A_42 = arith.constant 0 : i32
      %dma_wait3A_43 = arith.constant 0 : i32
      %dma_wait3A_44 = tpu.memref_slice %arg2[%run_scoped3A, %add3A, %dma_wait3A_42, %dma_wait3A_43] : memref<2x32x80x128xi32, #tpu.memory_space<hbm>> -> memref<1x1x80x128xi32, #tpu.memory_space<hbm>>
      %dma_wait3A_45 = tpu.memref_squeeze %dma_wait3A_44 : memref<1x1x80x128xi32, #tpu.memory_space<hbm>> -> memref<80x128xi32, #tpu.memory_space<hbm>>
      tpu.wait_dma2 semaphore(%run_scoped3A_31 : memref<!tpu.dma_semaphore, #tpu.memory_space<semaphore_mem>>) src(%dma_wait3A_45 : memref<80x128xi32, #tpu.memory_space<hbm>>) dst(%arg4 : memref<80x128xi32, #tpu.memory_space<vmem>>)
      tpu.yield
    }) : () -> ()
    %barrier3A = arith.constant 0 : index
    tpu.barrier barrier_id(%barrier3A)
    %scan3A_18 = arith.constant 0 : i32
    %scan3A_19 = arith.constant 0 : i32
    %scan3A_20 = arith.constant 80 : i32
    %scan3A_21 = arith.addi %scan3A_19, %scan3A_20 : i32
    %scan3A_22 = arith.constant 1 : i32
    scf.for %scan3A_31 = %scan3A_19 to %scan3A_21 step %scan3A_22  : i32 {
      %dma_start3A = arith.constant 0 : i32
      %dma_start3A_32 = tpu.memref_slice %arg4[%scan3A_31, %dma_start3A] : memref<80x128xi32, #tpu.memory_space<vmem>> -> memref<1x128xi32, #tpu.memory_space<vmem>>
      %dma_start3A_33 = tpu.memref_squeeze %dma_start3A_32 : memref<1x128xi32, #tpu.memory_space<vmem>> -> memref<128xi32, #tpu.memory_space<vmem>>
      %dma_start3A_34 = arith.constant 0 : i32
      %dma_start3A_35 = arith.constant 0 : i32
      %dma_start3A_36 = tpu.memref_slice %arg7[%dma_start3A_34, %dma_start3A_35] : memref<10240x16xf32, #tpu.memory_space<vmem_shared>> -> memref<10240x16xf32, #tpu.memory_space<vmem_shared>>
      tpu.enqueue_indirect_dma source(%arg5 : memref<128x16xf32, #tpu.memory_space<vmem>>) target(%dma_start3A_36 : memref<10240x16xf32, #tpu.memory_space<vmem_shared>>) offsets(%dma_start3A_33 : memref<128xi32, #tpu.memory_space<vmem>>) semaphore(%arg8 : memref<!tpu.dma_semaphore, #tpu.memory_space<semaphore_mem>>) {add = true}
    }
    %scan3A_23 = arith.constant 80 : i32
    %scan3A_24 = arith.constant 0 : i32
    %scan3A_25 = arith.constant 0 : i32
    %scan3A_26 = arith.constant 80 : i32
    %scan3A_27 = arith.addi %scan3A_25, %scan3A_26 : i32
    %scan3A_28 = arith.constant 1 : i32
    scf.for %scan3A_31 = %scan3A_25 to %scan3A_27 step %scan3A_28  : i32 {
      %dma_wait3A = arith.constant 0 : i32
      %dma_wait3A_32 = arith.constant 0 : i32
      %dma_wait3A_33 = tpu.memref_slice %arg4[%dma_wait3A, %dma_wait3A_32] : memref<80x128xi32, #tpu.memory_space<vmem>> -> memref<1x128xi32, #tpu.memory_space<vmem>>
      %dma_wait3A_34 = tpu.memref_squeeze %dma_wait3A_33 : memref<1x128xi32, #tpu.memory_space<vmem>> -> memref<128xi32, #tpu.memory_space<vmem>>
      %dma_wait3A_35 = arith.constant 0 : i32
      %dma_wait3A_36 = arith.constant 0 : i32
      %dma_wait3A_37 = tpu.memref_slice %arg7[%dma_wait3A_35, %dma_wait3A_36] : memref<10240x16xf32, #tpu.memory_space<vmem_shared>> -> memref<10240x16xf32, #tpu.memory_space<vmem_shared>>
      tpu.wait_indirect_dma semaphore(%arg8 : memref<!tpu.dma_semaphore, #tpu.memory_space<semaphore_mem>>) src(%arg5 : memref<128x16xf32, #tpu.memory_space<vmem>>) dst(%dma_wait3A_37 : memref<10240x16xf32, #tpu.memory_space<vmem_shared>>)
    }
    %scan3A_29 = arith.constant 80 : i32
    %barrier3A_30 = arith.constant 0 : index
    tpu.barrier barrier_id(%barrier3A_30)
    "tpu.region"() ({
      %run_scoped3A_31 = tpu.sem_alloc : memref<!tpu.dma_semaphore, #tpu.memory_space<semaphore_mem>>
      %dma_start3A = arith.constant 0 : i32
      %dma_start3A_32 = tpu.memref_slice %arg3[%arg0, %mul3A_2, %dma_start3A] : memref<2x10240x16xf32, #tpu.memory_space<hbm>> -> memref<1x640x16xf32, #tpu.memory_space<hbm>>
      %dma_start3A_33 = tpu.memref_squeeze %dma_start3A_32 : memref<1x640x16xf32, #tpu.memory_space<hbm>> -> memref<640x16xf32, #tpu.memory_space<hbm>>
      %dma_start3A_34 = arith.constant 0 : i32
      %dma_start3A_35 = tpu.memref_slice %arg7[%mul3A_2, %dma_start3A_34] : memref<10240x16xf32, #tpu.memory_space<vmem_shared>> -> memref<640x16xf32, #tpu.memory_space<vmem_shared>>
      tpu.enqueue_dma source(%dma_start3A_35 : memref<640x16xf32, #tpu.memory_space<vmem_shared>>) target(%dma_start3A_33 : memref<640x16xf32, #tpu.memory_space<hbm>>) target_semaphore(%run_scoped3A_31 : memref<!tpu.dma_semaphore, #tpu.memory_space<semaphore_mem>>)
      %dma_wait3A = arith.constant 0 : i32
      %dma_wait3A_36 = tpu.memref_slice %arg3[%arg0, %mul3A_2, %dma_wait3A] : memref<2x10240x16xf32, #tpu.memory_space<hbm>> -> memref<1x640x16xf32, #tpu.memory_space<hbm>>
      %dma_wait3A_37 = tpu.memref_squeeze %dma_wait3A_36 : memref<1x640x16xf32, #tpu.memory_space<hbm>> -> memref<640x16xf32, #tpu.memory_space<hbm>>
      %dma_wait3A_38 = arith.constant 0 : i32
      %dma_wait3A_39 = tpu.memref_slice %arg7[%mul3A_2, %dma_wait3A_38] : memref<10240x16xf32, #tpu.memory_space<vmem_shared>> -> memref<640x16xf32, #tpu.memory_space<vmem_shared>>
      tpu.wait_dma2 semaphore(%run_scoped3A_31 : memref<!tpu.dma_semaphore, #tpu.memory_space<semaphore_mem>>) src(%dma_wait3A_39 : memref<640x16xf32, #tpu.memory_space<vmem_shared>>) dst(%dma_wait3A_37 : memref<640x16xf32, #tpu.memory_space<hbm>>)
      tpu.yield
    }) : () -> ()
    return
  }
}

module attributes {stable_mosaic.version = 14 : i64} {
  func.func @_mid_body(%arg0: i32, %arg1: memref<2x1280x16xf32, #tpu.memory_space<vmem>>, %arg2: memref<2x1280x128xf32, #tpu.memory_space<vmem>>, %arg3: memref<1280x128xf32, #tpu.memory_space<vmem>>, %arg4: memref<128x256xf32, #tpu.memory_space<vmem>>, %arg5: memref<1x256xf32, #tpu.memory_space<vmem>>, %arg6: memref<256x128xf32, #tpu.memory_space<vmem>>, %arg7: memref<1280x128xf32, #tpu.memory_space<vmem>>) attributes {dimension_semantics = [#tpu.dimension_semantics<arbitrary>], iteration_bounds = array<i64: 8>, scalar_prefetch = 0 : i64, scratch_operands = 0 : i64, tpu.core_type = #tpu.core_type<tc>, window_params = [{transform_indices = @transform_0, window_bounds = array<i64: 2, 1280, 16>}, {transform_indices = @transform_1, window_bounds = array<i64: 2, 1280, 128>}, {transform_indices = @transform_2, window_bounds = array<i64: 1280, 128>}, {pipeline_mode = #tpu.pipeline_mode<synchronous>, transform_indices = @transform_3, window_bounds = array<i64: 128, 256>}, {pipeline_mode = #tpu.pipeline_mode<synchronous>, transform_indices = @transform_4, window_bounds = array<i64: 1, 256>}, {pipeline_mode = #tpu.pipeline_mode<synchronous>, transform_indices = @transform_5, window_bounds = array<i64: 256, 128>}, {transform_indices = @transform_6, window_bounds = array<i64: 1280, 128>}]} {
    %get3A = arith.constant 0 : index
    %get3A_0 = arith.constant 0 : index
    %get3A_1 = arith.constant 0 : index
    %get3A_2 = vector.load %arg1[%get3A, %get3A_0, %get3A_1] : memref<2x1280x16xf32, #tpu.memory_space<vmem>>, vector<2x1280x16xf32>
    %slice3A = vector.extract_strided_slice %get3A_2 {offsets = [0, 0, 0], sizes = [1, 1280, 1], strides = [1, 1, 1]} : vector<2x1280x16xf32> to vector<1x1280x1xf32>
    %squeeze3A = vector.shape_cast %slice3A : vector<1x1280x1xf32> to vector<1280x1xf32>
    %add3A = arith.constant 1.000000e+00 : f32
    %add3A_3 = vector.broadcast %add3A : f32 to vector<1280x1xf32>
    %add3A_4 = arith.addf %add3A_3, %squeeze3A : vector<1280x1xf32>
    %slice3A_5 = vector.extract_strided_slice %get3A_2 {offsets = [1, 0, 0], sizes = [1, 1280, 1], strides = [1, 1, 1]} : vector<2x1280x16xf32> to vector<1x1280x1xf32>
    %squeeze3A_6 = vector.shape_cast %slice3A_5 : vector<1x1280x1xf32> to vector<1280x1xf32>
    %add3A_7 = arith.addf %add3A_4, %squeeze3A_6 : vector<1280x1xf32>
    %rsqrt3A = math.rsqrt %add3A_7 : vector<1280x1xf32>
    %get3A_8 = arith.constant 0 : index
    %get3A_9 = arith.constant 0 : index
    %get3A_10 = arith.constant 0 : index
    %get3A_11 = vector.load %arg2[%get3A_8, %get3A_9, %get3A_10] : memref<2x1280x128xf32, #tpu.memory_space<vmem>>, vector<2x1280x128xf32>
    %slice3A_12 = vector.extract_strided_slice %get3A_11 {offsets = [0, 0, 0], sizes = [1, 1280, 128], strides = [1, 1, 1]} : vector<2x1280x128xf32> to vector<1x1280x128xf32>
    %squeeze3A_13 = vector.shape_cast %slice3A_12 : vector<1x1280x128xf32> to vector<1280x128xf32>
    %slice3A_14 = vector.extract_strided_slice %get3A_11 {offsets = [1, 0, 0], sizes = [1, 1280, 128], strides = [1, 1, 1]} : vector<2x1280x128xf32> to vector<1x1280x128xf32>
    %squeeze3A_15 = vector.shape_cast %slice3A_14 : vector<1x1280x128xf32> to vector<1280x128xf32>
    %add3A_16 = arith.addf %squeeze3A_13, %squeeze3A_15 : vector<1280x128xf32>
    %get3A_17 = arith.constant 0 : index
    %get3A_18 = arith.constant 0 : index
    %get3A_19 = vector.load %arg3[%get3A_17, %get3A_18] : memref<1280x128xf32, #tpu.memory_space<vmem>>, vector<1280x128xf32>
    %add3A_20 = arith.addf %add3A_16, %get3A_19 : vector<1280x128xf32>
    %mul3A = vector.broadcast %rsqrt3A : vector<1280x1xf32> to vector<1280x128xf32>
    %mul3A_21 = arith.mulf %add3A_20, %mul3A : vector<1280x128xf32>
    %get3A_22 = arith.constant 0 : index
    %get3A_23 = arith.constant 0 : index
    %get3A_24 = vector.load %arg4[%get3A_22, %get3A_23] : memref<128x256xf32, #tpu.memory_space<vmem>>, vector<128x256xf32>
    %dot_general3A = arith.constant dense<0.000000e+00> : vector<1280x256xf32>
    %dot_general3A_25 = tpu.matmul %mul3A_21, %get3A_24, %dot_general3A {dimension_numbers = #tpu.dot_dimension_numbers<[1], [0], [0], [1], [0, 0, 1, 1], [], []>, transpose_lhs_hint = false} : vector<1280x128xf32>, vector<128x256xf32>, vector<1280x256xf32> -> vector<1280x256xf32>
    %get3A_26 = arith.constant 0 : index
    %get3A_27 = arith.constant 0 : index
    %get3A_28 = vector.load %arg5[%get3A_26, %get3A_27] : memref<1x256xf32, #tpu.memory_space<vmem>>, vector<1x256xf32>
    %add3A_29 = vector.broadcast %get3A_28 : vector<1x256xf32> to vector<1280x256xf32>
    %add3A_30 = arith.addf %dot_general3A_25, %add3A_29 : vector<1280x256xf32>
    %max3A = arith.constant 0.000000e+00 : f32
    %max3A_31 = vector.broadcast %max3A : f32 to vector<1280x256xf32>
    %max3A_32 = arith.maximumf %add3A_30, %max3A_31 : vector<1280x256xf32>
    %get3A_33 = arith.constant 0 : index
    %get3A_34 = arith.constant 0 : index
    %get3A_35 = vector.load %arg6[%get3A_33, %get3A_34] : memref<256x128xf32, #tpu.memory_space<vmem>>, vector<256x128xf32>
    %dot_general3A_36 = arith.constant dense<0.000000e+00> : vector<1280x128xf32>
    %dot_general3A_37 = tpu.matmul %max3A_32, %get3A_35, %dot_general3A_36 {dimension_numbers = #tpu.dot_dimension_numbers<[1], [0], [0], [1], [0, 0, 1, 1], [], []>, transpose_lhs_hint = false} : vector<1280x256xf32>, vector<256x128xf32>, vector<1280x128xf32> -> vector<1280x128xf32>
    %mul3A_38 = vector.broadcast %rsqrt3A : vector<1280x1xf32> to vector<1280x128xf32>
    %mul3A_39 = arith.mulf %dot_general3A_37, %mul3A_38 : vector<1280x128xf32>
    %mul3A_40 = arith.constant 1280 : i32
    %mul3A_41 = arith.muli %arg0, %mul3A_40 : i32
    %iota3A = tpu.iota {dimensions = array<i32: 0>} : vector<1280x1xi32>
    %add3A_42 = vector.broadcast %mul3A_41 : i32 to vector<1280x1xi32>
    %add3A_43 = arith.addi %add3A_42, %iota3A : vector<1280x1xi32>
    %lt3A = arith.constant 10000 : i32
    %lt3A_44 = vector.broadcast %lt3A : i32 to vector<1280x1xi32>
    %lt3A_45 = arith.cmpi slt, %add3A_43, %lt3A_44 : vector<1280x1xi32>
    %jit3A = arith.constant 0.000000e+00 : f32
    %broadcast_in_dim3A = vector.shape_cast %lt3A_45 : vector<1280x1xi1> to vector<1280x1xi1>
    %broadcast_in_dim3A_46 = vector.broadcast %broadcast_in_dim3A : vector<1280x1xi1> to vector<1280x128xi1>
    %broadcast_in_dim3A_47 = vector.broadcast %jit3A : f32 to vector<1280x128xf32>
    %select_n3A = arith.select %broadcast_in_dim3A_46, %mul3A_39, %broadcast_in_dim3A_47 : vector<1280x128xi1>, vector<1280x128xf32>
    %swap3A = arith.constant 0 : index
    %swap3A_48 = arith.constant 0 : index
    %swap3A_49 = vector.load %arg7[%swap3A, %swap3A_48] : memref<1280x128xf32, #tpu.memory_space<vmem>>, vector<1280x128xf32>
    tpu.vector_store %arg7[%swap3A, %swap3A_48], %select_n3A {strides = array<i32>} : memref<1280x128xf32, #tpu.memory_space<vmem>>, vector<1280x128xf32>,
    return
  }
  func.func @transform_0(%arg0: i32) -> (i32, i32, i32) {
    %c0_i32 = arith.constant 0 : i32
    %c0_i32_0 = arith.constant 0 : i32
    %c0_i32_1 = arith.constant 0 : i32
    return %c0_i32, %arg0, %c0_i32_0 : i32, i32, i32
  }
  func.func @transform_1(%arg0: i32) -> (i32, i32, i32) {
    %c0_i32 = arith.constant 0 : i32
    %c0_i32_0 = arith.constant 0 : i32
    %c0_i32_1 = arith.constant 0 : i32
    return %c0_i32, %arg0, %c0_i32_0 : i32, i32, i32
  }
  func.func @transform_2(%arg0: i32) -> (i32, i32) {
    %c0_i32 = arith.constant 0 : i32
    %c0_i32_0 = arith.constant 0 : i32
    return %arg0, %c0_i32 : i32, i32
  }
  func.func @transform_3(%arg0: i32) -> (i32, i32) {
    %c0_i32 = arith.constant 0 : i32
    %c0_i32_0 = arith.constant 0 : i32
    %c0_i32_1 = arith.constant 0 : i32
    return %c0_i32, %c0_i32_0 : i32, i32
  }
  func.func @transform_4(%arg0: i32) -> (i32, i32) {
    %c0_i32 = arith.constant 0 : i32
    %c0_i32_0 = arith.constant 0 : i32
    %c0_i32_1 = arith.constant 0 : i32
    return %c0_i32, %c0_i32_0 : i32, i32
  }
  func.func @transform_5(%arg0: i32) -> (i32, i32) {
    %c0_i32 = arith.constant 0 : i32
    %c0_i32_0 = arith.constant 0 : i32
    %c0_i32_1 = arith.constant 0 : i32
    return %c0_i32, %c0_i32_0 : i32, i32
  }
  func.func @transform_6(%arg0: i32) -> (i32, i32) {
    %c0_i32 = arith.constant 0 : i32
    %c0_i32_0 = arith.constant 0 : i32
    return %arg0, %c0_i32 : i32, i32
  }
}

module attributes {stable_mosaic.version = 14 : i64} {
  func.func @_pre_body(%arg0: i32, %arg1: memref<2x1280x16xf32, #tpu.memory_space<vmem>>, %arg2: memref<1280x128xf32, #tpu.memory_space<vmem>>, %arg3: memref<1280x128xf32, #tpu.memory_space<vmem>>) attributes {dimension_semantics = [#tpu.dimension_semantics<arbitrary>], iteration_bounds = array<i64: 8>, scalar_prefetch = 0 : i64, scratch_operands = 0 : i64, tpu.core_type = #tpu.core_type<tc>, window_params = [{transform_indices = @transform_0, window_bounds = array<i64: 2, 1280, 16>}, {transform_indices = @transform_1, window_bounds = array<i64: 1280, 128>}, {transform_indices = @transform_2, window_bounds = array<i64: 1280, 128>}]} {
    %mul3A = arith.constant 1280 : i32
    %mul3A_0 = arith.muli %arg0, %mul3A : i32
    %iota3A = tpu.iota {dimensions = array<i32: 0>} : vector<1280x1xi32>
    %add3A = vector.broadcast %mul3A_0 : i32 to vector<1280x1xi32>
    %add3A_1 = arith.addi %add3A, %iota3A : vector<1280x1xi32>
    %get3A = arith.constant 0 : index
    %get3A_2 = arith.constant 0 : index
    %get3A_3 = vector.load %arg2[%get3A, %get3A_2] : memref<1280x128xf32, #tpu.memory_space<vmem>>, vector<1280x128xf32>
    %get3A_4 = arith.constant 0 : index
    %get3A_5 = arith.constant 0 : index
    %get3A_6 = arith.constant 0 : index
    %get3A_7 = vector.load %arg1[%get3A_4, %get3A_5, %get3A_6] : memref<2x1280x16xf32, #tpu.memory_space<vmem>>, vector<2x1280x16xf32>
    %slice3A = vector.extract_strided_slice %get3A_7 {offsets = [0, 0, 0], sizes = [1, 1280, 1], strides = [1, 1, 1]} : vector<2x1280x16xf32> to vector<1x1280x1xf32>
    %squeeze3A = vector.shape_cast %slice3A : vector<1x1280x1xf32> to vector<1280x1xf32>
    %add3A_8 = arith.constant 1.000000e+00 : f32
    %add3A_9 = vector.broadcast %add3A_8 : f32 to vector<1280x1xf32>
    %add3A_10 = arith.addf %add3A_9, %squeeze3A : vector<1280x1xf32>
    %slice3A_11 = vector.extract_strided_slice %get3A_7 {offsets = [1, 0, 0], sizes = [1, 1280, 1], strides = [1, 1, 1]} : vector<2x1280x16xf32> to vector<1x1280x1xf32>
    %squeeze3A_12 = vector.shape_cast %slice3A_11 : vector<1x1280x1xf32> to vector<1280x1xf32>
    %add3A_13 = arith.addf %add3A_10, %squeeze3A_12 : vector<1280x1xf32>
    %rsqrt3A = math.rsqrt %add3A_13 : vector<1280x1xf32>
    %mul3A_14 = vector.broadcast %rsqrt3A : vector<1280x1xf32> to vector<1280x128xf32>
    %mul3A_15 = arith.mulf %get3A_3, %mul3A_14 : vector<1280x128xf32>
    %lt3A = arith.constant 10000 : i32
    %lt3A_16 = vector.broadcast %lt3A : i32 to vector<1280x1xi32>
    %lt3A_17 = arith.cmpi slt, %add3A_1, %lt3A_16 : vector<1280x1xi32>
    %jit3A = arith.constant 0.000000e+00 : f32
    %broadcast_in_dim3A = vector.shape_cast %lt3A_17 : vector<1280x1xi1> to vector<1280x1xi1>
    %broadcast_in_dim3A_18 = vector.broadcast %broadcast_in_dim3A : vector<1280x1xi1> to vector<1280x128xi1>
    %broadcast_in_dim3A_19 = vector.broadcast %jit3A : f32 to vector<1280x128xf32>
    %select_n3A = arith.select %broadcast_in_dim3A_18, %mul3A_15, %broadcast_in_dim3A_19 : vector<1280x128xi1>, vector<1280x128xf32>
    %swap3A = arith.constant 0 : index
    %swap3A_20 = arith.constant 0 : index
    %swap3A_21 = vector.load %arg3[%swap3A, %swap3A_20] : memref<1280x128xf32, #tpu.memory_space<vmem>>, vector<1280x128xf32>
    tpu.vector_store %arg3[%swap3A, %swap3A_20], %select_n3A {strides = array<i32>} : memref<1280x128xf32, #tpu.memory_space<vmem>>, vector<1280x128xf32>,
    return
  }
  func.func @transform_0(%arg0: i32) -> (i32, i32, i32) {
    %c0_i32 = arith.constant 0 : i32
    %c0_i32_0 = arith.constant 0 : i32
    %c0_i32_1 = arith.constant 0 : i32
    return %c0_i32, %arg0, %c0_i32_0 : i32, i32, i32
  }
  func.func @transform_1(%arg0: i32) -> (i32, i32) {
    %c0_i32 = arith.constant 0 : i32
    %c0_i32_0 = arith.constant 0 : i32
    return %arg0, %c0_i32 : i32, i32
  }
  func.func @transform_2(%arg0: i32) -> (i32, i32) {
    %c0_i32 = arith.constant 0 : i32
    %c0_i32_0 = arith.constant 0 : i32
    return %arg0, %c0_i32 : i32, i32
  }
}

module attributes {stable_mosaic.version = 14 : i64} {
  func.func @_edges_body(%arg0: i32, %arg1: memref<2x81920xi32, #tpu.memory_space<vmem>>, %arg2: memref<2x8x80x128xi32, #tpu.memory_space<vmem>>) attributes {dimension_semantics = [#tpu.dimension_semantics<arbitrary>], iteration_bounds = array<i64: 4>, scalar_prefetch = 0 : i64, scratch_operands = 0 : i64, tpu.core_type = #tpu.core_type<tc>, window_params = [{transform_indices = @transform_0, window_bounds = array<i64: 2, 81920>}, {transform_indices = @transform_1, window_bounds = array<i64: 2, 8, 80, 128>}]} {
    %iota3A = tpu.iota {dimensions = array<i32: 1>} : vector<2x81920xi32>
    %mul3A = arith.constant 81920 : i32
    %mul3A_0 = arith.muli %arg0, %mul3A : i32
    %add3A = vector.broadcast %mul3A_0 : i32 to vector<2x81920xi32>
    %add3A_1 = arith.addi %iota3A, %add3A : vector<2x81920xi32>
    %rem3A = arith.constant 240 : i32
    %rem3A_2 = vector.broadcast %rem3A : i32 to vector<2x81920xi32>
    %rem3A_3 = arith.remsi %add3A_1, %rem3A_2 : vector<2x81920xi32>
    %add3A_4 = arith.constant 10000 : i32
    %add3A_5 = vector.broadcast %add3A_4 : i32 to vector<2x81920xi32>
    %add3A_6 = arith.addi %add3A_5, %rem3A_3 : vector<2x81920xi32>
    %lt3A = arith.constant 320000 : i32
    %lt3A_7 = vector.broadcast %lt3A : i32 to vector<2x81920xi32>
    %lt3A_8 = arith.cmpi slt, %add3A_1, %lt3A_7 : vector<2x81920xi32>
    %get3A = arith.constant 0 : index
    %get3A_9 = arith.constant 0 : index
    %get3A_10 = vector.load %arg1[%get3A, %get3A_9] : memref<2x81920xi32, #tpu.memory_space<vmem>>, vector<2x81920xi32>
    %select_n3A = arith.select %lt3A_8, %get3A_10, %add3A_6 : vector<2x81920xi1>, vector<2x81920xi32>
    %reshape3A = vector.shape_cast %select_n3A : vector<2x81920xi32> to vector<2x8x80x128xi32>
    %swap3A = arith.constant 0 : index
    %swap3A_11 = arith.constant 0 : index
    %swap3A_12 = arith.constant 0 : index
    %swap3A_13 = arith.constant 0 : index
    %swap3A_14 = vector.load %arg2[%swap3A, %swap3A_11, %swap3A_12, %swap3A_13] : memref<2x8x80x128xi32, #tpu.memory_space<vmem>>, vector<2x8x80x128xi32>
    tpu.vector_store %arg2[%swap3A, %swap3A_11, %swap3A_12, %swap3A_13], %reshape3A {strides = array<i32>} : memref<2x8x80x128xi32, #tpu.memory_space<vmem>>, vector<2x8x80x128xi32>,
    return
  }
  func.func @transform_0(%arg0: i32) -> (i32, i32) {
    %c0_i32 = arith.constant 0 : i32
    %c0_i32_0 = arith.constant 0 : i32
    return %c0_i32, %arg0 : i32, i32
  }
  func.func @transform_1(%arg0: i32) -> (i32, i32, i32, i32) {
    %c0_i32 = arith.constant 0 : i32
    %c0_i32_0 = arith.constant 0 : i32
    %c0_i32_1 = arith.constant 0 : i32
    %c0_i32_2 = arith.constant 0 : i32
    return %c0_i32, %arg0, %c0_i32_0, %c0_i32_1 : i32, i32, i32, i32
  }
}

module attributes {stable_mosaic.version = 14 : i64} {
  func.func @_fin_body(%arg0: i32, %arg1: memref<2x1000x16xf32, #tpu.memory_space<vmem>>, %arg2: memref<2x1000x128xf32, #tpu.memory_space<vmem>>, %arg3: memref<1000x128xf32, #tpu.memory_space<vmem>>, %arg4: memref<1x128xf32, #tpu.memory_space<vmem>>, %arg5: memref<128x128xf32, #tpu.memory_space<vmem>>, %arg6: memref<1x128xf32, #tpu.memory_space<vmem>>, %arg7: memref<1000x128xf32, #tpu.memory_space<vmem>>) attributes {dimension_semantics = [#tpu.dimension_semantics<arbitrary>], iteration_bounds = array<i64: 10>, scalar_prefetch = 0 : i64, scratch_operands = 0 : i64, tpu.core_type = #tpu.core_type<tc>, window_params = [{transform_indices = @transform_0, window_bounds = array<i64: 2, 1000, 16>}, {transform_indices = @transform_1, window_bounds = array<i64: 2, 1000, 128>}, {transform_indices = @transform_2, window_bounds = array<i64: 1000, 128>}, {pipeline_mode = #tpu.pipeline_mode<synchronous>, transform_indices = @transform_3, window_bounds = array<i64: 1, 128>}, {pipeline_mode = #tpu.pipeline_mode<synchronous>, transform_indices = @transform_4, window_bounds = array<i64: 128, 128>}, {pipeline_mode = #tpu.pipeline_mode<synchronous>, transform_indices = @transform_5, window_bounds = array<i64: 1, 128>}, {transform_indices = @transform_6, window_bounds = array<i64: 1000, 128>}]} {
    %get3A = arith.constant 0 : index
    %get3A_0 = arith.constant 0 : index
    %get3A_1 = arith.constant 0 : index
    %get3A_2 = vector.load %arg1[%get3A, %get3A_0, %get3A_1] : memref<2x1000x16xf32, #tpu.memory_space<vmem>>, vector<2x1000x16xf32>
    %slice3A = vector.extract_strided_slice %get3A_2 {offsets = [0, 0, 0], sizes = [1, 1000, 1], strides = [1, 1, 1]} : vector<2x1000x16xf32> to vector<1x1000x1xf32>
    %squeeze3A = vector.shape_cast %slice3A : vector<1x1000x1xf32> to vector<1000x1xf32>
    %add3A = arith.constant 1.000000e+00 : f32
    %add3A_3 = vector.broadcast %add3A : f32 to vector<1000x1xf32>
    %add3A_4 = arith.addf %add3A_3, %squeeze3A : vector<1000x1xf32>
    %slice3A_5 = vector.extract_strided_slice %get3A_2 {offsets = [1, 0, 0], sizes = [1, 1000, 1], strides = [1, 1, 1]} : vector<2x1000x16xf32> to vector<1x1000x1xf32>
    %squeeze3A_6 = vector.shape_cast %slice3A_5 : vector<1x1000x1xf32> to vector<1000x1xf32>
    %add3A_7 = arith.addf %add3A_4, %squeeze3A_6 : vector<1000x1xf32>
    %rsqrt3A = math.rsqrt %add3A_7 : vector<1000x1xf32>
    %get3A_8 = arith.constant 0 : index
    %get3A_9 = arith.constant 0 : index
    %get3A_10 = arith.constant 0 : index
    %get3A_11 = vector.load %arg2[%get3A_8, %get3A_9, %get3A_10] : memref<2x1000x128xf32, #tpu.memory_space<vmem>>, vector<2x1000x128xf32>
    %slice3A_12 = vector.extract_strided_slice %get3A_11 {offsets = [0, 0, 0], sizes = [1, 1000, 128], strides = [1, 1, 1]} : vector<2x1000x128xf32> to vector<1x1000x128xf32>
    %squeeze3A_13 = vector.shape_cast %slice3A_12 : vector<1x1000x128xf32> to vector<1000x128xf32>
    %slice3A_14 = vector.extract_strided_slice %get3A_11 {offsets = [1, 0, 0], sizes = [1, 1000, 128], strides = [1, 1, 1]} : vector<2x1000x128xf32> to vector<1x1000x128xf32>
    %squeeze3A_15 = vector.shape_cast %slice3A_14 : vector<1x1000x128xf32> to vector<1000x128xf32>
    %add3A_16 = arith.addf %squeeze3A_13, %squeeze3A_15 : vector<1000x128xf32>
    %get3A_17 = arith.constant 0 : index
    %get3A_18 = arith.constant 0 : index
    %get3A_19 = vector.load %arg3[%get3A_17, %get3A_18] : memref<1000x128xf32, #tpu.memory_space<vmem>>, vector<1000x128xf32>
    %add3A_20 = arith.addf %add3A_16, %get3A_19 : vector<1000x128xf32>
    %mul3A = vector.broadcast %rsqrt3A : vector<1000x1xf32> to vector<1000x128xf32>
    %mul3A_21 = arith.mulf %add3A_20, %mul3A : vector<1000x128xf32>
    %get3A_22 = arith.constant 0 : index
    %get3A_23 = arith.constant 0 : index
    %get3A_24 = vector.load %arg4[%get3A_22, %get3A_23] : memref<1x128xf32, #tpu.memory_space<vmem>>, vector<1x128xf32>
    %add3A_25 = vector.broadcast %get3A_24 : vector<1x128xf32> to vector<1000x128xf32>
    %add3A_26 = arith.addf %mul3A_21, %add3A_25 : vector<1000x128xf32>
    %max3A = arith.constant 0.000000e+00 : f32
    %max3A_27 = vector.broadcast %max3A : f32 to vector<1000x128xf32>
    %max3A_28 = arith.maximumf %add3A_26, %max3A_27 : vector<1000x128xf32>
    %get3A_29 = arith.constant 0 : index
    %get3A_30 = arith.constant 0 : index
    %get3A_31 = vector.load %arg5[%get3A_29, %get3A_30] : memref<128x128xf32, #tpu.memory_space<vmem>>, vector<128x128xf32>
    %dot_general3A = arith.constant dense<0.000000e+00> : vector<1000x128xf32>
    %dot_general3A_32 = tpu.matmul %max3A_28, %get3A_31, %dot_general3A {dimension_numbers = #tpu.dot_dimension_numbers<[1], [0], [0], [1], [0, 0, 1, 1], [], []>, transpose_lhs_hint = false} : vector<1000x128xf32>, vector<128x128xf32>, vector<1000x128xf32> -> vector<1000x128xf32>
    %get3A_33 = arith.constant 0 : index
    %get3A_34 = arith.constant 0 : index
    %get3A_35 = vector.load %arg6[%get3A_33, %get3A_34] : memref<1x128xf32, #tpu.memory_space<vmem>>, vector<1x128xf32>
    %add3A_36 = vector.broadcast %get3A_35 : vector<1x128xf32> to vector<1000x128xf32>
    %add3A_37 = arith.addf %dot_general3A_32, %add3A_36 : vector<1000x128xf32>
    %swap3A = arith.constant 0 : index
    %swap3A_38 = arith.constant 0 : index
    %swap3A_39 = vector.load %arg7[%swap3A, %swap3A_38] : memref<1000x128xf32, #tpu.memory_space<vmem>>, vector<1000x128xf32>
    tpu.vector_store %arg7[%swap3A, %swap3A_38], %add3A_37 {strides = array<i32>} : memref<1000x128xf32, #tpu.memory_space<vmem>>, vector<1000x128xf32>,
    return
  }
  func.func @transform_0(%arg0: i32) -> (i32, i32, i32) {
    %c0_i32 = arith.constant 0 : i32
    %c0_i32_0 = arith.constant 0 : i32
    %c0_i32_1 = arith.constant 0 : i32
    return %c0_i32, %arg0, %c0_i32_0 : i32, i32, i32
  }
  func.func @transform_1(%arg0: i32) -> (i32, i32, i32) {
    %c0_i32 = arith.constant 0 : i32
    %c0_i32_0 = arith.constant 0 : i32
    %c0_i32_1 = arith.constant 0 : i32
    return %c0_i32, %arg0, %c0_i32_0 : i32, i32, i32
  }
  func.func @transform_2(%arg0: i32) -> (i32, i32) {
    %c0_i32 = arith.constant 0 : i32
    %c0_i32_0 = arith.constant 0 : i32
    return %arg0, %c0_i32 : i32, i32
  }
  func.func @transform_3(%arg0: i32) -> (i32, i32) {
    %c0_i32 = arith.constant 0 : i32
    %c0_i32_0 = arith.constant 0 : i32
    %c0_i32_1 = arith.constant 0 : i32
    return %c0_i32, %c0_i32_0 : i32, i32
  }
  func.func @transform_4(%arg0: i32) -> (i32, i32) {
    %c0_i32 = arith.constant 0 : i32
    %c0_i32_0 = arith.constant 0 : i32
    %c0_i32_1 = arith.constant 0 : i32
    return %c0_i32, %c0_i32_0 : i32, i32
  }
  func.func @transform_5(%arg0: i32) -> (i32, i32) {
    %c0_i32 = arith.constant 0 : i32
    %c0_i32_0 = arith.constant 0 : i32
    %c0_i32_1 = arith.constant 0 : i32
    return %c0_i32, %c0_i32_0 : i32, i32
  }
  func.func @transform_6(%arg0: i32) -> (i32, i32) {
    %c0_i32 = arith.constant 0 : i32
    %c0_i32_0 = arith.constant 0 : i32
    return %arg0, %c0_i32 : i32, i32
  }
}

</mosaic_0001>

<sc_bundles>
// kernel: kernel.12.cloned.1.call-start
scs
__scs_entry_jumppad:
0x0: {  	(pc) =	sbr.rel $0x88, $3  }
0x1: {  	(tag) =	ssettag $0x0;
	lr =	simm.s32 $0x1  }
0x2: {  	[smem:$0x3F99] =	sst lr;
	_ =	strace $0xD0000000  }
0x3: {  	_ = 	snop  }
0x4: {  	_ = 	snop  }
0x5: {  	_ = 	snop  }
0x6: {  	_ = 	snop  }
0x7: {  	_ = 	snop  }
__scs_overlays_trampoline_lowered:
0x8: {  	[smem:$0x3FA8] =	sst s0  }
0x9: {  	[smem:$0x3FA9] =	sst s1  }
0xa: {  	[smem:$0x3FAA] =	sst s2  }
0xb: {  	[smem:$0x3FAB] =	sst s3  }
0xc: {  	[smem:$0x3FAC] =	sst s4  }
0xd: {  	[smem:$0x3FAD] =	sst s5  }
0xe: {  	[smem:$0x3FAE] =	sst s6  }
0xf: {  	[smem:$0x3FAF] =	sst s7  }
0x10: {  	[smem:$0x3FB0] =	sst s8  }
0x11: {  	[smem:$0x3FB1] =	sst s9;
	s0 =	simm.s32 @!p0 $0x0  }
0x12: {  	s1 =	sld [smem:$0x3F97];
	s0 =	simm.s32 @p0 $0x1  }
0x13: {  	[smem:$0x3FB2] =	sst s0;
	s0 =	simm.s32 @!p1 $0x0  }
0x14: {  	s2 =	sld [smem:$0x3F96];
	s0 =	simm.s32 @p1 $0x1  }
0x15: {  	[smem:$0x3FB3] =	sst s0;
	s0 =	simm.s32 @!p2 $0x0  }
0x16: {  	s3 =	sld [smem:$0x3FDB];
	s0 =	simm.s32 @p2 $0x1  }
0x17: {  	s4 =	simm.s32 $0x1BF5;
	[smem:$0x3FB5] =	sst s0  }
0x18: {  	s0 =	sld [smem:$0x3F98];
	_ =	swait.ge [sflag:s4], $0x0  }
0x19: {  	s7 =	sld [smem:$0x3F99]  }
0x1a: {  	s8 =	sadd.s32 $0xFFFFE003, lr  }
0x1b: {  	s9 =	sadd.s32 $0xFFFFFEF7, lr;
	s5 =	simm.s32 $0xFFFFFFFF;
	p2 =	slt.u32 s8, $0xFFFFF086  }
0x1c: {  	p1 =	slt.u32 s9, $0xF7A;
	s5 =	simm.s32 @!p2 $0x0  }
0x1d: {  	s5 =	simm.s32 @p1 $0x1;
	p0 =	seq.s32 s7, s2  }
0x1e: {  	s7 =	smul.u32 @!p0 $0xF7A, s2;
	p2 =	seq.s32 @!p0 s5, $0x0  }
0x1f: {  	s9 =	smul.u32 $0xF7A, s1;
	s8 =	simm.s32 @!p0 $0x1BF5;
	p2 =	por !p2, p0  }
0x20: {  	[sflag:s8] =	ssyncset.s32 @!p0 $0xFFFFF086;
	s6 =	sadd.s32 @!p0 s3, s7;
	s7 =	simm.s32 @!p0 $0x108  }
0x21: {  	s3 =	sadd.s32 s3, s9;
	s6 =	sadd.s32 @!p0 $0x88, s6;
	s7 =	simm.s32 @p2 $0x1082  }
0x22: {  	[simem:s7], [sflag:s8] =	dma.local @!p0 [hbm:s6], $0xF7A  }
0x23: {  	s9 =	sor.u32 $0xD0000000, s2;
	s6 =	simm.s32 $0x108;
	_ =	swait.ge @!p0 [sflag:s8], $0x0  }
0x24: {  	s3 =	sadd.s32 $0x88, s3;
	s6 =	simm.s32 @!p1 $0x1082;
	[sflag:s4] =	ssyncset.s32 $0xFFFFF086  }
0x25: {  	[simem:s6], [sflag:s4] =	dma.local [hbm:s3], $0xF7A  }
0x26: {  	[smem:$0x3F99] =	sst s1;
	(tag) =	ssettag s2;
	_ =	strace s9  }
0x27: {  	s1 =	sld [smem:$0x3FA9]  }
0x28: {  	s2 =	sld [smem:$0x3FAA]  }
0x29: {  	s4 =	sld [smem:$0x3FAC]  }
0x2a: {  	p0 =	seq.s32 s5, $0x0;
	s5 =	sld [smem:$0x3FAD]  }
0x2b: {  	s6 =	sld [smem:$0x3FAE]  }
0x2c: {  	s7 =	sld [smem:$0x3FAF]  }
0x2d: {  	s3 =	simm.s32 $0x108;
	s8 =	sld [smem:$0x3FB0]  }
0x2e: {  	s3 =	simm.s32 @!p0 $0x1082;
	s9 =	sld [smem:$0x3FB1]  }
0x2f: {  	lr =	sadd.s32 s0, s3;
	s0 =	sld [smem:$0x3FA8]  }
0x30: {  	s3 =	sld [smem:$0x3FAB]  }
0x31: {  	[smem:$0x3FB4] =	sst s10  }
0x32: {  	s10 =	sld [smem:$0x3FB2];
	_ =	sdelay $0x3  }
0x33: {  	p0 =	seq.s32 s10, $0x1;
	s10 =	sld [smem:$0x3FB4];
	_ =	sdelay $0x3  }
0x34: {  	[smem:$0x3FB4] =	sst s10  }
0x35: {  	s10 =	sld [smem:$0x3FB3];
	_ =	sdelay $0x3  }
0x36: {  	p1 =	seq.s32 s10, $0x1;
	s10 =	sld [smem:$0x3FB4];
	_ =	sdelay $0x3  }
0x37: {  	[smem:$0x3FB4] =	sst s10  }
0x38: {  	s10 =	sld [smem:$0x3FB5]  }
0x39: {  	_ = 	snop;
	(pc) =	sbr.ind lr, $3  }
0x3a: {  	_ = 	snop  }
0x3b: {  	_ = 	snop  }
0x3c: {  	p2 =	seq.s32 s10, $0x1;
	s10 =	sld [smem:$0x3FB4]  }
0x3d: {  	_ =	shalt  }
0x3e: {  	_ =	shalt  }
0x3f: {  	_ =	shalt  }
0x40: {  	_ =	shalt  }
0x41: {  	_ =	shalt  }
0x42: {  	_ =	shalt  }
0x43: {  	_ =	shalt  }
0x44: {  	_ =	shalt  }
0x45: {  	_ =	shalt  }
0x46: {  	_ =	shalt  }
0x47: {  	_ =	shalt  }
0x48: {  	_ =	shalt  }
0x49: {  	_ =	shalt  }
0x4a: {  	_ =	shalt  }
0x4b: {  	_ =	shalt  }
0x4c: {  	_ =	shalt  }
0x4d: {  	_ =	shalt  }
0x4e: {  	_ =	shalt  }
0x4f: {  	_ =	shalt  }
0x50: {  	_ =	shalt  }
0x51: {  	_ =	shalt  }
0x52: {  	_ =	shalt  }
0x53: {  	_ =	shalt  }
0x54: {  	_ =	shalt  }
0x55: {  	_ =	shalt  }
0x56: {  	_ =	shalt  }
0x57: {  	_ =	shalt  }
0x58: {  	_ =	shalt  }
0x59: {  	_ =	shalt  }
0x5a: {  	_ =	shalt  }
0x5b: {  	_ =	shalt  }
0x5c: {  	_ =	shalt  }
0x5d: {  	_ =	shalt  }
0x5e: {  	_ =	shalt  }
0x5f: {  	_ =	shalt  }
0x60: {  	_ =	shalt  }
0x61: {  	_ =	shalt  }
0x62: {  	_ =	shalt  }
0x63: {  	_ =	shalt  }
0x64: {  	_ =	shalt  }
0x65: {  	_ =	shalt  }
0x66: {  	_ =	shalt  }
0x67: {  	_ =	shalt  }
0x68: {  	_ =	shalt  }
0x69: {  	_ =	shalt  }
0x6a: {  	_ =	shalt  }
0x6b: {  	_ =	shalt  }
0x6c: {  	_ =	shalt  }
0x6d: {  	_ =	shalt  }
0x6e: {  	_ =	shalt  }
0x6f: {  	_ =	shalt  }
0x70: {  	_ =	shalt  }
0x71: {  	_ =	shalt  }
0x72: {  	_ =	shalt  }
0x73: {  	_ =	shalt  }
0x74: {  	_ =	shalt  }
0x75: {  	_ =	shalt  }
0x76: {  	_ =	shalt  }
0x77: {  	_ =	shalt  }
0x78: {  	_ =	shalt  }
0x79: {  	_ =	shalt  }
0x7a: {  	_ =	shalt  }
0x7b: {  	_ =	shalt  }
0x7c: {  	_ =	shalt  }
0x7d: {  	_ =	shalt  }
0x7e: {  	_ =	shalt  }
0x7f: {  	_ =	shalt  }
0x80: {  	_ =	shalt  }
0x81: {  	_ =	shalt  }
0x82: {  	_ =	shalt  }
0x83: {  	_ =	shalt  }
0x84: {  	_ =	shalt  }
0x85: {  	_ =	shalt  }
0x86: {  	_ =	shalt  }
0x87: {  	_ =	shalt  }
.Lfunc_end0:
.L_simem_size_0:
called_computation.1_lowered:
.L_overlay_start_0:
0x88: {  	s2 =	sld [smem:$0x3FD9]  }
0x89: {  	s3 =	sld [smem:$0x3FFE];
	_ =	sdelay $0x1  }
0x8a: {  	s1 =	srdreg.scid  }
0x8b: {  	s0 =	sand.u32 $0x1, s1  }
0x8c: {  	s17 =	sshll.u32 s0, $0xA;
	s2 =	sadd.s32 s3, s2  }
0x8d: {  	s2 =	sadd.s32 s2, s17  }
0x8e: {  	[smem:$0x3FC0] =	sst s2  }
0x8f: {  	_ = 	snop  }
0x90: {  	s2 =	sld [smem:$0x3FD0];
	(tm) =	ssettm $0x1  }
0x91: {  	s18 =	sld [smem:$0x3FFB];
	_ =	sdelay $0x3  }
0x92: {  	_ =	strace s18  }
0x93: {  	s3 =	sld [smem:$0x3FFC];
	_ =	sdelay $0x3  }
0x94: {  	_ =	strace s3  }
0x95: {  	s3 =	sld [smem:$0x3FFD];
	_ =	sdelay $0x3  }
0x96: {  	_ =	strace s3  }
0x97: {  	_ =	strace $0x8FFFFFFF  }
0x98: {  	s19 =	sld [smem:$0x3FDB];
	_ =	sdelay $0x1  }
0x99: {  	s4 =	simm.s32 $_scs_section_size  }
0x9a: {  	s5 =	simm.s32 $_size__tile_overlayer_lowered;
	s6 =	simm.s32 $_tile_overlayer_lowered  }
0x9b: {  	s22 =	simm.s32 $0x1BFF;
	s21 =	sshll.u32 s6, $0x1;
	s3 =	sadd.s32 s4, s19  }
0x9c: {  	s7 =	simm.s32 $0x0;
	s20 =	sshll.u32 s5, $0x1;
	s5 =	sadd.s32 s21, s3  }
0x9d: {  	[timem:s7], [sflag:s22] =	dma.local [hbm:s5], s20  }
0x9e: {  	_ =	swait.ge [sflag:s22], s20  }
0x9f: {  	s4 =	ssub.s32 $0x0, s20;
	[sflag:s22] =	ssyncset.done $0x0  }
0xa0: {  	[sflag:s22] =	ssyncadd.s32 s4;
	_ =	sdelay $0x1  }
0xa1: {  	s23 =	simm.s32 $0x1B8B  }
0xa2: {  	_ =	swait.ge [sflag:s23], $0x1  }
0xa3: {  	[sflag:s23] =	ssyncset.done $0x0  }
0xa4: {  	s25 =	simm.s32 $0x1B8E;
	s24 =	sld [smem:$0x3FFE];
	[sflag:s23] =	ssyncadd.s32 $0xFFFFFFFF  }
0xa5: {  	s26 =	simm.s32 $execute0_lowered;
	[smem:$0x3FD2] =	sst s25  }
0xa6: {  	s5 =	sshll.u32 s26, $0x1;
	_ =	strace $0x80000049;
	[dreg:$0x1] =	wrdreg $0xFFFFFFFF  }
0xa7: {  	s28 =	simm.s32 $_size_execute0_lowered;
	s3 =	sadd.s32 s3, s5;
	[dreg:$0x0] =	wrdreg $0x0  }
0xa8: {  	s5 =	sshll.u32 s28, $0x1;
	[dreg:$0x2] =	wrdreg s3  }
0xa9: {  	[dreg:$0x3] =	wrdreg s5  }
0xaa: {  	[dreg:$0x4] =	wrdreg $0xC0  }
0xab: {  	_ =	task [dreg:s7], $0x5FFFF  }
0xac: {  	[dreg:$0x1] =	wrdreg $0xFFFFFFFF  }
0xad: {  	[dreg:$0x0] =	wrdreg $0x60  }
0xae: {  	[dreg:$0x2] =	wrdreg s24  }
0xaf: {  	[dreg:$0x3] =	wrdreg s2  }
0xb0: {  	[dreg:$0x4] =	wrdreg $0xA8000  }
0xb1: {  	[dreg:$0x5] =	wrdreg $0x9  }
0xb2: {  	_ =	task.clear_ibuf [dreg:s7], $0x6FFFF;
	_ =	strace $0x90000049  }
0xb3: {  	s29 =	simm.s32 $0x9;
	_ =	strace $0x8000004B  }
0xb4: {  	_ =	swait.ge [sflag:s29], $0x1  }
0xb5: {  	[sflag:s29] =	ssyncadd.s32 $0xFFFFFFFF  }
0xb6: {  	_ =	strace $0x9000004B  }
0xb7: {  	_ =	sfence  }
0xb8: {  	s30 =	sld [smem:$0x0];
	_ =	sdelay $0x2  }
0xb9: {  	s31 =	sshll.u32 s1, $0xD;
	s1 =	sshrl.u32 s1, $0x2  }
0xba: {  	s3 =	sand.u32 $0x4000, s31;
	s1 =	sadd.s32 s1, s30  }
0xbb: {  	s0 =	sor.u32 s3, s0;
	s1 =	sshll.u32 s1, $0x11  }
0xbc: {  	s0 =	sor.u32 s1, s0  }
0xbd: {  	s0 =	sadd.s32 $0x8F2B, s0  }
0xbe: {  	[sflag:s0] =	ssyncadd.remote.s32 $0x1  }
0xbf: {  	_ =	sfence.sel $0xFFFF  }
0xc0: {  	[dreg:$0x0] =	wrdreg $0xFFFFFFFF;
	(pc) =	sbr.abs _section_cstart, $3  }
0xc1: {  	[dreg:$0x1] =	wrdreg $0xFFFFFFFF  }
0xc2: {  	_ =	task.clear_ibuf [dreg:s7], $0x2FFFF;
	_ =	strace $0x9FFFFFFF  }
0xc3: {  	(tm) =	ssettm $0x7FFFFFFF  }
tec
execute0_lowered:
.L_overlay_start_1:
0x0: {  	(tag) =	ssettag $0x1  }
0x1: {  	s5 =	rddreg [dreg:$0x0]  }
0x2: {  	s12 =	rddreg [dreg:$0x1]  }
0x3: {  	s2 =	rddreg [dreg:$0x2]  }
0x4: {  	s0 =	srdreg.scid;
	s1 =	rddreg [dreg:$0x3];
	s3 =	simm.s32 $0x0  }
0x5: {  	s16 =	simm.s32 $0x2800;
	s17 =	simm.s32 $0x5;
	s18 =	simm.s32 $0x1400  }
0x6: {  	s19 =	simm.s32 $0x80;
	s20 =	simm.s32 $0x1;
	s21 =	simm.s32 $0x6800  }
0x7: {  	s22 =	simm.s32 $0x2;
	s23 =	simm.s32 $0x3;
	s24 =	simm.s32 $0x4  }
0x8: {  	s25 =	simm.s32 $0x1380;
	s6 =	sand.u32 $0x1, s0;
	s0 =	stileid.u32  }
0x9: {  	s28 =	simm.s32 $0x2780;
	[smem:$0x7FF] =	sst s3;
	s4 =	smul.u32 $0x140000, s6  }
0xa: {  	s7 =	smul.u32 $0x14000, s0;
	_ =	strace $0x8000004A;
	s26 =	sshll.u32 s6, $0x4  }
0xb: {  	s8 =	smul.u32 $0x50000, s0;
	s6 =	ssub.s32 $0x2, s6;
	s29 =	sor.u32 s0, s26  }
0xc: {  	s31 =	sshrl.u32 s6, $0x1;
	s26 =	simm.s32 $0x2700;
	s4 =	sadd.s32 s7, s4  }
0xd: {  	s30 =	sshrl.u32 s8, $0x2;
	s11 =	smul.u32 $0x2800, s29;
	s7 =	sshrl.u32 s4, $0x3  }
0xe: {  	s13 =	ssub.s32 s6, s31;
	s4 =	sadd.s32 $0x2E00, s5;
	s10 =	sadd.s32 s7, s5  }
0xf: {  	s5 =	sadd.s32 s30, s2;
	s14 =	sshrl.u32 s11, $0x3;
	s11 =	smax.u32 s13, $0x1  }
0x10: {  	s6 =	sadd.s32 $0x4000, s5;
	s7 =	sadd.s32 $0x8000, s5;
	s8 =	sadd.s32 $0xC000, s5  }
0x11: {  	s9 =	sadd.s32 $0x10000, s5;
	s10 =	sadd.s32 $0x2AE00, s10;
	s12 =	sadd.s32 s12, s14  }
0x12: {  	v0 =	vimm.f32 $0.0e+00;
	s13 =	sadd.s32 $0xA000, s12;
	s14 =	sadd.s32 $0x280, s12;
	s15 =	sadd.s32 $0xA280, s12  }
.LBB2_1:
0x13: {  	s29 =	simm.s32 $0x0;
	s30 =	simm.s32 $0x200  }
.LBB2_2:
0x14: {  	p0 =	sne.s32 s30, $0xFE00;
	[tilespmem:s29+$0x2870] =	vst v0  }
0x15: {  	[tilespmem:s29+$0x2800] =	vst v0  }
0x16: {  	[tilespmem:s29+$0x2810] =	vst v0  }
.Ltmp0:
0x17: {  	[tilespmem:s29+$0x2820] =	vst v0;
	(pc) =	sbr.rel @p0 .LBB2_2-.Ltmp0, $4  }
0x18: {  	[tilespmem:s29+$0x2830] =	vst v0  }
0x19: {  	[tilespmem:s29+$0x2840] =	vst v0  }
0x1a: {  	[tilespmem:s29+$0x2850] =	vst v0  }
0x1b: {  	[tilespmem:s29+$0x2860] =	vst v0;
	s29 =	sshra.s32 s30, $0x2;
	s30 =	sadd.s32 $0x200, s30  }
0x1c: {  	[tilespmem:s29+$0x2870] =	vst v0  }
0x1d: {  	[tilespmem:s29+$0x2800] =	vst v0  }
0x1e: {  	[tilespmem:s29+$0x2810] =	vst v0  }
0x1f: {  	[tilespmem:s29+$0x2820] =	vst v0  }
0x20: {  	[tilespmem:s29+$0x2830] =	vst v0  }
0x21: {  	[tilespmem:s29+$0x2840] =	vst v0  }
0x22: {  	[tilespmem:s29+$0x2850] =	vst v0  }
0x23: {  	[tilespmem:s29+$0x2860] =	vst v0  }
0x24: {  	[spmem:s5] =	stream.linear.scatter [tilespmem:s16], [sflag:$0x5], $0x4000, $0x38;
	[tilespmem:$0x1E800] =	vst v63  }
0x25: {  	_ =	swait.ge [sflag:s17], $0x4000  }
0x26: {  	[sflag:s17] =	ssyncset.done $0x0  }
0x27: {  	[sflag:s17] =	ssyncadd.s32 $0xFFFFC000  }
0x28: {  	[spmem:s6] =	stream.linear.scatter [tilespmem:s16], [sflag:$0x5], $0x4000, $0x38;
	[tilespmem:$0x1E800] =	vst v63  }
0x29: {  	_ =	swait.ge [sflag:s17], $0x4000  }
0x2a: {  	[sflag:s17] =	ssyncset.done $0x0  }
0x2b: {  	[sflag:s17] =	ssyncadd.s32 $0xFFFFC000  }
0x2c: {  	[spmem:s7] =	stream.linear.scatter [tilespmem:s16], [sflag:$0x5], $0x4000, $0x38;
	[tilespmem:$0x1E800] =	vst v63  }
0x2d: {  	_ =	swait.ge [sflag:s17], $0x4000  }
0x2e: {  	[sflag:s17] =	ssyncset.done $0x0  }
0x2f: {  	[sflag:s17] =	ssyncadd.s32 $0xFFFFC000  }
0x30: {  	[spmem:s8] =	stream.linear.scatter [tilespmem:s16], [sflag:$0x5], $0x4000, $0x38;
	[tilespmem:$0x1E800] =	vst v63  }
0x31: {  	_ =	swait.ge [sflag:s17], $0x4000  }
0x32: {  	[sflag:s17] =	ssyncset.done $0x0  }
0x33: {  	[sflag:s17] =	ssyncadd.s32 $0xFFFFC000  }
0x34: {  	[spmem:s9] =	stream.linear.scatter [tilespmem:s16], [sflag:$0x5], $0x4000, $0x38;
	[tilespmem:$0x1E800] =	vst v63  }
0x35: {  	_ =	swait.ge [sflag:s17], $0x4000  }
0x36: {  	[sflag:s17] =	ssyncset.done $0x0  }
0x37: {  	[sflag:s17] =	ssyncadd.s32 $0xFFFFC000  }
0x38: {  	s29 =	simm.s32 $0x0;
	[bflag:$0x0] =	sbarrier.arrive $0xFFFF  }
0x39: {  	[tilespmem:s29], [sflag:$0x5] =	stream.linear.gather [hbm4b:s12+s29], $0x1400, $0x38;
	[tilespmem:$0x1E800] =	vst v63  }
0x3a: {  	_ =	swait.ge [sflag:s17], $0x1400  }
0x3b: {  	[sflag:s17] =	ssyncset.done $0x0  }
0x3c: {  	[sflag:s17] =	ssyncadd.s32 $0xFFFFEC00  }
0x3d: {  	[tilespmem:s18], [sflag:$0x5] =	stream.linear.gather [hbm4b:s13+s29], $0x1400, $0x38;
	[tilespmem:$0x1E800] =	vst v63  }
0x3e: {  	_ =	swait.ge [sflag:s17], $0x1400  }
0x3f: {  	[sflag:s17] =	ssyncset.done $0x0  }
0x40: {  	[sflag:s17] =	ssyncadd.s32 $0xFFFFEC00  }
0x41: {  	[tilespmem:s16], [sflag:$0x1] =	stream.indirect.gather [hbm4b:s4+s19], $0x80, s29, s19, $0xb8;
	[tilespmem:$0x1E800] =	vst v63  }
0x42: {  	_ =	swait.ge [sflag:s20], $0x4000  }
0x43: {  	[sflag:s20] =	ssyncset.done $0x0  }
0x44: {  	s29 =	simm.s32 $0x80;
	[sflag:s20] =	ssyncadd.s32 $0xFFFFC000  }
0x45: {  	[tilespmem:s21], [sflag:$0x2] =	stream.indirect.gather [hbm4b:s4+s19], $0x80, s29, s19, $0xb8;
	[tilespmem:$0x1E800] =	vst v63  }
0x46: {  	s29 =	simm.s32 $0x1400  }
0x47: {  	[spmem:s2] =	stream.indirect.scatter.add.f32 [tilespmem:s16], [sflag:$0x3], $0x80, s29, s19, $0xb8;
	[tilespmem:$0x1E800] =	vst v63  }
0x48: {  	_ =	swait.ge [sflag:s22], $0x4000  }
0x49: {  	[sflag:s22] =	ssyncset.done $0x0  }
0x4a: {  	s29 =	simm.s32 $0x1480;
	[sflag:s22] =	ssyncadd.s32 $0xFFFFC000  }
0x4b: {  	[spmem:s2] =	stream.indirect.scatter.add.f32 [tilespmem:s21], [sflag:$0x4], $0x80, s29, s19, $0xb8;
	[tilespmem:$0x1E800] =	vst v63  }
0x4c: {  	_ =	swait.ge [sflag:s23], $0x4000  }
0x4d: {  	[sflag:s23] =	ssyncset.done $0x0  }
0x4e: {  	s29 =	simm.s32 $0x100;
	[sflag:s23] =	ssyncadd.s32 $0xFFFFC000  }
0x4f: {  	[tilespmem:s16], [sflag:$0x1] =	stream.indirect.gather [hbm4b:s4+s19], $0x80, s29, s19, $0xb8;
	[tilespmem:$0x1E800] =	vst v63  }
0x50: {  	_ =	swait.ge [sflag:s24], $0x4000  }
0x51: {  	s29 =	simm.s32 $0x400;
	[sflag:s24] =	ssyncset.done $0x0  }
.LBB2_4:
0x52: {  	p0 =	sne.s32 s29, $0x4800  }
0x53: {  	[sflag:s24] =	ssyncadd.s32 $0xFFFFC000;
	s30 =	smov.u32 s29;
	s29 =	sadd.s32 $0x400, s29  }
0x54: {  	_ =	swait.ge [sflag:s20], $0x4000  }
0x55: {  	s30 =	sshra.s32 s30, $0x2;
	[sflag:s20] =	ssyncset.done $0x0  }
0x56: {  	s31 =	sadd.s32 $0x80, s30;
	[sflag:s20] =	ssyncadd.s32 $0xFFFFC000  }
0x57: {  	[tilespmem:s21], [sflag:$0x2] =	stream.indirect.gather [hbm4b:s4+s19], $0x80, s31, s19, $0xb8;
	[tilespmem:$0x1E800] =	vst v63  }
0x58: {  	s31 =	sadd.s32 $0x1400, s30  }
0x59: {  	[spmem:s2] =	stream.indirect.scatter.add.f32 [tilespmem:s16], [sflag:$0x3], $0x80, s31, s19, $0xb8;
	[tilespmem:$0x1E800] =	vst v63  }
0x5a: {  	_ =	swait.ge [sflag:s22], $0x4000  }
0x5b: {  	[sflag:s22] =	ssyncset.done $0x0  }
0x5c: {  	s31 =	sadd.s32 $0x1480, s30;
	[sflag:s22] =	ssyncadd.s32 $0xFFFFC000  }
0x5d: {  	[spmem:s2] =	stream.indirect.scatter.add.f32 [tilespmem:s21], [sflag:$0x4], $0x80, s31, s19, $0xb8;
	[tilespmem:$0x1E800] =	vst v63  }
0x5e: {  	_ =	swait.ge [sflag:s23], $0x4000  }
.Ltmp1:
0x5f: {  	[sflag:s23] =	ssyncset.done $0x0;
	(pc) =	sbr.rel @p0 .LBB2_4-.Ltmp1, $4  }
0x60: {  	s30 =	sadd.s32 $0x100, s30;
	[sflag:s23] =	ssyncadd.s32 $0xFFFFC000  }
0x61: {  	[tilespmem:s16], [sflag:$0x1] =	stream.indirect.gather [hbm4b:s4+s19], $0x80, s30, s19, $0xb8;
	[tilespmem:$0x1E800] =	vst v63  }
0x62: {  	_ =	swait.ge [sflag:s24], $0x4000  }
0x63: {  	[sflag:s24] =	ssyncset.done $0x0  }
0x64: {  	[sflag:s24] =	ssyncadd.s32 $0xFFFFC000  }
0x65: {  	_ =	swait.ge [sflag:s20], $0x4000  }
0x66: {  	[sflag:s20] =	ssyncset.done $0x0  }
0x67: {  	[sflag:s20] =	ssyncadd.s32 $0xFFFFC000  }
0x68: {  	[tilespmem:s21], [sflag:$0x2] =	stream.indirect.gather [hbm4b:s4+s19], $0x80, s25, s19, $0xb8;
	[tilespmem:$0x1E800] =	vst v63  }
0x69: {  	_ = 	snop  }
0x6a: {  	[spmem:s2] =	stream.indirect.scatter.add.f32 [tilespmem:s16], [sflag:$0x3], $0x80, s26, s19, $0xb8;
	[tilespmem:$0x1E800] =	vst v63  }
0x6b: {  	_ =	swait.ge [sflag:s22], $0x4000  }
0x6c: {  	[sflag:s22] =	ssyncset.done $0x0  }
0x6d: {  	[sflag:s22] =	ssyncadd.s32 $0xFFFFC000  }
0x6e: {  	[spmem:s2] =	stream.indirect.scatter.add.f32 [tilespmem:s21], [sflag:$0x4], $0x80, s28, s19, $0xb8;
	[tilespmem:$0x1E800] =	vst v63  }
0x6f: {  	_ =	swait.ge [sflag:s23], $0x4000  }
0x70: {  	[sflag:s23] =	ssyncset.done $0x0  }
0x71: {  	[sflag:s23] =	ssyncadd.s32 $0xFFFFC000  }
0x72: {  	_ =	swait.ge [sflag:s24], $0x4000  }
0x73: {  	[sflag:s24] =	ssyncset.done $0x0  }
0x74: {  	s29 =	simm.s32 $0x0;
	[sflag:s24] =	ssyncadd.s32 $0xFFFFC000  }
0x75: {  	[tilespmem:s29], [sflag:$0x5] =	stream.linear.gather [hbm4b:s14+s29], $0x1400, $0x38;
	[tilespmem:$0x1E800] =	vst v63  }
0x76: {  	_ =	swait.ge [sflag:s17], $0x1400  }
0x77: {  	[sflag:s17] =	ssyncset.done $0x0  }
0x78: {  	[sflag:s17] =	ssyncadd.s32 $0xFFFFEC00  }
0x79: {  	[tilespmem:s18], [sflag:$0x5] =	stream.linear.gather [hbm4b:s15+s29], $0x1400, $0x38;
	[tilespmem:$0x1E800] =	vst v63  }
0x7a: {  	_ =	swait.ge [sflag:s17], $0x1400  }
0x7b: {  	[sflag:s17] =	ssyncset.done $0x0  }
0x7c: {  	[sflag:s17] =	ssyncadd.s32 $0xFFFFEC00  }
0x7d: {  	[tilespmem:s16], [sflag:$0x1] =	stream.indirect.gather [hbm4b:s4+s19], $0x80, s29, s19, $0xb8;
	[tilespmem:$0x1E800] =	vst v63  }
0x7e: {  	_ =	swait.ge [sflag:s20], $0x4000  }
0x7f: {  	[sflag:s20] =	ssyncset.done $0x0  }
0x80: {  	s29 =	simm.s32 $0x80;
	[sflag:s20] =	ssyncadd.s32 $0xFFFFC000  }
0x81: {  	[tilespmem:s21], [sflag:$0x2] =	stream.indirect.gather [hbm4b:s4+s19], $0x80, s29, s19, $0xb8;
	[tilespmem:$0x1E800] =	vst v63  }
0x82: {  	s29 =	simm.s32 $0x1400  }
0x83: {  	[spmem:s2] =	stream.indirect.scatter.add.f32 [tilespmem:s16], [sflag:$0x3], $0x80, s29, s19, $0xb8;
	[tilespmem:$0x1E800] =	vst v63  }
0x84: {  	_ =	swait.ge [sflag:s22], $0x4000  }
0x85: {  	[sflag:s22] =	ssyncset.done $0x0  }
0x86: {  	s29 =	simm.s32 $0x1480;
	[sflag:s22] =	ssyncadd.s32 $0xFFFFC000  }
0x87: {  	[spmem:s2] =	stream.indirect.scatter.add.f32 [tilespmem:s21], [sflag:$0x4], $0x80, s29, s19, $0xb8;
	[tilespmem:$0x1E800] =	vst v63  }
0x88: {  	_ =	swait.ge [sflag:s23], $0x4000  }
0x89: {  	[sflag:s23] =	ssyncset.done $0x0  }
0x8a: {  	s29 =	simm.s32 $0x100;
	[sflag:s23] =	ssyncadd.s32 $0xFFFFC000  }
0x8b: {  	[tilespmem:s16], [sflag:$0x1] =	stream.indirect.gather [hbm4b:s4+s19], $0x80, s29, s19, $0xb8;
	[tilespmem:$0x1E800] =	vst v63  }
0x8c: {  	_ =	swait.ge [sflag:s24], $0x4000  }
0x8d: {  	s29 =	simm.s32 $0x400;
	[sflag:s24] =	ssyncset.done $0x0  }
.LBB2_6:
0x8e: {  	p0 =	sne.s32 s29, $0x4800  }
0x8f: {  	[sflag:s24] =	ssyncadd.s32 $0xFFFFC000;
	s30 =	smov.u32 s29;
	s29 =	sadd.s32 $0x400, s29  }
0x90: {  	_ =	swait.ge [sflag:s20], $0x4000  }
0x91: {  	s30 =	sshra.s32 s30, $0x2;
	[sflag:s20] =	ssyncset.done $0x0  }
0x92: {  	s31 =	sadd.s32 $0x80, s30;
	[sflag:s20] =	ssyncadd.s32 $0xFFFFC000  }
0x93: {  	[tilespmem:s21], [sflag:$0x2] =	stream.indirect.gather [hbm4b:s4+s19], $0x80, s31, s19, $0xb8;
	[tilespmem:$0x1E800] =	vst v63  }
0x94: {  	s31 =	sadd.s32 $0x1400, s30  }
0x95: {  	[spmem:s2] =	stream.indirect.scatter.add.f32 [tilespmem:s16], [sflag:$0x3], $0x80, s31, s19, $0xb8;
	[tilespmem:$0x1E800] =	vst v63  }
0x96: {  	_ =	swait.ge [sflag:s22], $0x4000  }
0x97: {  	[sflag:s22] =	ssyncset.done $0x0  }
0x98: {  	s31 =	sadd.s32 $0x1480, s30;
	[sflag:s22] =	ssyncadd.s32 $0xFFFFC000  }
0x99: {  	[spmem:s2] =	stream.indirect.scatter.add.f32 [tilespmem:s21], [sflag:$0x4], $0x80, s31, s19, $0xb8;
	[tilespmem:$0x1E800] =	vst v63  }
0x9a: {  	_ =	swait.ge [sflag:s23], $0x4000  }
.Ltmp2:
0x9b: {  	[sflag:s23] =	ssyncset.done $0x0;
	(pc) =	sbr.rel @p0 .LBB2_6-.Ltmp2, $4  }
0x9c: {  	s30 =	sadd.s32 $0x100, s30;
	[sflag:s23] =	ssyncadd.s32 $0xFFFFC000  }
0x9d: {  	[tilespmem:s16], [sflag:$0x1] =	stream.indirect.gather [hbm4b:s4+s19], $0x80, s30, s19, $0xb8;
	[tilespmem:$0x1E800] =	vst v63  }
0x9e: {  	_ =	swait.ge [sflag:s24], $0x4000  }
0x9f: {  	[sflag:s24] =	ssyncset.done $0x0  }
0xa0: {  	[sflag:s24] =	ssyncadd.s32 $0xFFFFC000  }
0xa1: {  	_ =	swait.ge [sflag:s20], $0x4000  }
0xa2: {  	[sflag:s20] =	ssyncset.done $0x0  }
0xa3: {  	[sflag:s20] =	ssyncadd.s32 $0xFFFFC000  }
0xa4: {  	[tilespmem:s21], [sflag:$0x2] =	stream.indirect.gather [hbm4b:s4+s19], $0x80, s25, s19, $0xb8;
	[tilespmem:$0x1E800] =	vst v63  }
0xa5: {  	_ = 	snop  }
0xa6: {  	[spmem:s2] =	stream.indirect.scatter.add.f32 [tilespmem:s16], [sflag:$0x3], $0x80, s26, s19, $0xb8;
	[tilespmem:$0x1E800] =	vst v63  }
0xa7: {  	_ =	swait.ge [sflag:s22], $0x4000  }
0xa8: {  	[sflag:s22] =	ssyncset.done $0x0  }
0xa9: {  	[sflag:s22] =	ssyncadd.s32 $0xFFFFC000  }
0xaa: {  	[spmem:s2] =	stream.indirect.scatter.add.f32 [tilespmem:s21], [sflag:$0x4], $0x80, s28, s19, $0xb8;
	[tilespmem:$0x1E800] =	vst v63  }
0xab: {  	_ =	swait.ge [sflag:s23], $0x4000  }
0xac: {  	[sflag:s23] =	ssyncset.done $0x0  }
0xad: {  	[sflag:s23] =	ssyncadd.s32 $0xFFFFC000  }
0xae: {  	_ =	swait.ge [sflag:s24], $0x4000  }
0xaf: {  	s29 =	sshll.u32 s0, $0x6;
	s3 =	sadd.s32 $0x1, s3;
	[sflag:s24] =	ssyncset.done $0x0  }
0xb0: {  	s30 =	sshrl.u32 s5, $0x3;
	p0 =	sne.s32 s3, s11;
	[sflag:s24] =	ssyncadd.s32 $0xFFFFC000  }
.Ltmp3:
0xb1: {  	s29 =	sor.u32 $0x1C05, s29;
	[bflag:$0x0] =	sbarrier.arrive $0xFFFF;
	(pc) =	sbr.rel @p0 .LBB2_1-.Ltmp3, $4  }
0xb2: {  	[hbm:s10], [sflag:s29] =	dma.local [spmem:s30], $0x2800  }
0xb3: {  	_ =	swait.ge [sflag:s17], $0x2800  }
0xb4: {  	[sflag:s17] =	ssyncset.done $0x0  }
0xb5: {  	[sflag:s17] =	ssyncadd.s32 $0xFFFFD800  }
0xb6: {  	_ =	sfence.sel $0x180000  }
0xb7: {  	[bflag:$0x0] =	sbarrier.arrive $0xFFFF  }
0xb8: {  	p0 =	sne.s32 s0, $0x0;
	_ =	strace $0x9000004A  }
0xb9: {  	s0 =	sadd.s32 @!p0 $0x100000, s1;
	[bflag:$0x2] =	sbarrier.arrive $0xFFFF  }
0xba: {  	[sflag:s0] =	ssyncadd.tile.s32 @!p0 $0x1;
	_ =	shalt  }
.Lfunc_end2:
_tile_overlayer_lowered:
.L_overlay_start_2:
0xbb: {  	(tag) =	ssettag $0x2  }
0xbc: {  	s0 =	rddreg [dreg:$0x0];
	s2 =	stileid.u32  }
0xbd: {  	s1 =	rddreg [dreg:$0x1];
	p0 =	sne.s32 s2, $0x0  }
0xbe: {  	s3 =	rddreg [dreg:$0x2];
	[bflag:$0x3] =	sbarrier.arrive $0xFFFF;
	s2 =	simm.s32 @!p0 $0x1C05  }
0xbf: {  	[timem:s3], [sflag:s2] =	dma.local @!p0 [hbm:s0], s1  }
0xc0: {  	s0 =	simm.s32 @!p0 $0x5  }
0xc1: {  	_ =	swait.ge @!p0 [sflag:s0], s1  }
0xc2: {  	s1 =	ssub.s32 @!p0 $0x0, s1;
	[sflag:s0] =	ssyncset.done @!p0 $0x0  }
0xc3: {  	[sflag:s0] =	ssyncadd.s32 @!p0 s1  }
0xc4: {  	[bflag:$0x3] =	sbarrier.arrive $0xFFFF  }
0xc5: {  	_ =	shalt  }

// kernel: kernel.15.cloned.1.call-start
scs
__scs_entry_jumppad:
0x0: {  	(pc) =	sbr.rel $0x88, $3  }
0x1: {  	(tag) =	ssettag $0x0;
	lr =	simm.s32 $0x1  }
0x2: {  	[smem:$0x3F99] =	sst lr;
	_ =	strace $0xD0000000  }
0x3: {  	_ = 	snop  }
0x4: {  	_ = 	snop  }
0x5: {  	_ = 	snop  }
0x6: {  	_ = 	snop  }
0x7: {  	_ = 	snop  }
__scs_overlays_trampoline_lowered:
0x8: {  	[smem:$0x3FA8] =	sst s0  }
0x9: {  	[smem:$0x3FA9] =	sst s1  }
0xa: {  	[smem:$0x3FAA] =	sst s2  }
0xb: {  	[smem:$0x3FAB] =	sst s3  }
0xc: {  	[smem:$0x3FAC] =	sst s4  }
0xd: {  	[smem:$0x3FAD] =	sst s5  }
0xe: {  	[smem:$0x3FAE] =	sst s6  }
0xf: {  	[smem:$0x3FAF] =	sst s7  }
0x10: {  	[smem:$0x3FB0] =	sst s8  }
0x11: {  	[smem:$0x3FB1] =	sst s9;
	s0 =	simm.s32 @!p0 $0x0  }
0x12: {  	s1 =	sld [smem:$0x3F97];
	s0 =	simm.s32 @p0 $0x1  }
0x13: {  	[smem:$0x3FB2] =	sst s0;
	s0 =	simm.s32 @!p1 $0x0  }
0x14: {  	s2 =	sld [smem:$0x3F96];
	s0 =	simm.s32 @p1 $0x1  }
0x15: {  	[smem:$0x3FB3] =	sst s0;
	s0 =	simm.s32 @!p2 $0x0  }
0x16: {  	s3 =	sld [smem:$0x3FDB];
	s0 =	simm.s32 @p2 $0x1  }
0x17: {  	s4 =	simm.s32 $0x1BF5;
	[smem:$0x3FB5] =	sst s0  }
0x18: {  	s0 =	sld [smem:$0x3F98];
	_ =	swait.ge [sflag:s4], $0x0  }
0x19: {  	s7 =	sld [smem:$0x3F99]  }
0x1a: {  	s8 =	sadd.s32 $0xFFFFE003, lr  }
0x1b: {  	s9 =	sadd.s32 $0xFFFFFEF7, lr;
	s5 =	simm.s32 $0xFFFFFFFF;
	p2 =	slt.u32 s8, $0xFFFFF086  }
0x1c: {  	p1 =	slt.u32 s9, $0xF7A;
	s5 =	simm.s32 @!p2 $0x0  }
0x1d: {  	s5 =	simm.s32 @p1 $0x1;
	p0 =	seq.s32 s7, s2  }
0x1e: {  	s7 =	smul.u32 @!p0 $0xF7A, s2;
	p2 =	seq.s32 @!p0 s5, $0x0  }
0x1f: {  	s9 =	smul.u32 $0xF7A, s1;
	s8 =	simm.s32 @!p0 $0x1BF5;
	p2 =	por !p2, p0  }
0x20: {  	[sflag:s8] =	ssyncset.s32 @!p0 $0xFFFFF086;
	s6 =	sadd.s32 @!p0 s3, s7;
	s7 =	simm.s32 @!p0 $0x108  }
0x21: {  	s3 =	sadd.s32 s3, s9;
	s6 =	sadd.s32 @!p0 $0x88, s6;
	s7 =	simm.s32 @p2 $0x1082  }
0x22: {  	[simem:s7], [sflag:s8] =	dma.local @!p0 [hbm:s6], $0xF7A  }
0x23: {  	s9 =	sor.u32 $0xD0000000, s2;
	s6 =	simm.s32 $0x108;
	_ =	swait.ge @!p0 [sflag:s8], $0x0  }
0x24: {  	s3 =	sadd.s32 $0x88, s3;
	s6 =	simm.s32 @!p1 $0x1082;
	[sflag:s4] =	ssyncset.s32 $0xFFFFF086  }
0x25: {  	[simem:s6], [sflag:s4] =	dma.local [hbm:s3], $0xF7A  }
0x26: {  	[smem:$0x3F99] =	sst s1;
	(tag) =	ssettag s2;
	_ =	strace s9  }
0x27: {  	s1 =	sld [smem:$0x3FA9]  }
0x28: {  	s2 =	sld [smem:$0x3FAA]  }
0x29: {  	s4 =	sld [smem:$0x3FAC]  }
0x2a: {  	p0 =	seq.s32 s5, $0x0;
	s5 =	sld [smem:$0x3FAD]  }
0x2b: {  	s6 =	sld [smem:$0x3FAE]  }
0x2c: {  	s7 =	sld [smem:$0x3FAF]  }
0x2d: {  	s3 =	simm.s32 $0x108;
	s8 =	sld [smem:$0x3FB0]  }
0x2e: {  	s3 =	simm.s32 @!p0 $0x1082;
	s9 =	sld [smem:$0x3FB1]  }
0x2f: {  	lr =	sadd.s32 s0, s3;
	s0 =	sld [smem:$0x3FA8]  }
0x30: {  	s3 =	sld [smem:$0x3FAB]  }
0x31: {  	[smem:$0x3FB4] =	sst s10  }
0x32: {  	s10 =	sld [smem:$0x3FB2];
	_ =	sdelay $0x3  }
0x33: {  	p0 =	seq.s32 s10, $0x1;
	s10 =	sld [smem:$0x3FB4];
	_ =	sdelay $0x3  }
0x34: {  	[smem:$0x3FB4] =	sst s10  }
0x35: {  	s10 =	sld [smem:$0x3FB3];
	_ =	sdelay $0x3  }
0x36: {  	p1 =	seq.s32 s10, $0x1;
	s10 =	sld [smem:$0x3FB4];
	_ =	sdelay $0x3  }
0x37: {  	[smem:$0x3FB4] =	sst s10  }
0x38: {  	s10 =	sld [smem:$0x3FB5]  }
0x39: {  	_ = 	snop;
	(pc) =	sbr.ind lr, $3  }
0x3a: {  	_ = 	snop  }
0x3b: {  	_ = 	snop  }
0x3c: {  	p2 =	seq.s32 s10, $0x1;
	s10 =	sld [smem:$0x3FB4]  }
0x3d: {  	_ =	shalt  }
0x3e: {  	_ =	shalt  }
0x3f: {  	_ =	shalt  }
0x40: {  	_ =	shalt  }
0x41: {  	_ =	shalt  }
0x42: {  	_ =	shalt  }
0x43: {  	_ =	shalt  }
0x44: {  	_ =	shalt  }
0x45: {  	_ =	shalt  }
0x46: {  	_ =	shalt  }
0x47: {  	_ =	shalt  }
0x48: {  	_ =	shalt  }
0x49: {  	_ =	shalt  }
0x4a: {  	_ =	shalt  }
0x4b: {  	_ =	shalt  }
0x4c: {  	_ =	shalt  }
0x4d: {  	_ =	shalt  }
0x4e: {  	_ =	shalt  }
0x4f: {  	_ =	shalt  }
0x50: {  	_ =	shalt  }
0x51: {  	_ =	shalt  }
0x52: {  	_ =	shalt  }
0x53: {  	_ =	shalt  }
0x54: {  	_ =	shalt  }
0x55: {  	_ =	shalt  }
0x56: {  	_ =	shalt  }
0x57: {  	_ =	shalt  }
0x58: {  	_ =	shalt  }
0x59: {  	_ =	shalt  }
0x5a: {  	_ =	shalt  }
0x5b: {  	_ =	shalt  }
0x5c: {  	_ =	shalt  }
0x5d: {  	_ =	shalt  }
0x5e: {  	_ =	shalt  }
0x5f: {  	_ =	shalt  }
0x60: {  	_ =	shalt  }
0x61: {  	_ =	shalt  }
0x62: {  	_ =	shalt  }
0x63: {  	_ =	shalt  }
0x64: {  	_ =	shalt  }
0x65: {  	_ =	shalt  }
0x66: {  	_ =	shalt  }
0x67: {  	_ =	shalt  }
0x68: {  	_ =	shalt  }
0x69: {  	_ =	shalt  }
0x6a: {  	_ =	shalt  }
0x6b: {  	_ =	shalt  }
0x6c: {  	_ =	shalt  }
0x6d: {  	_ =	shalt  }
0x6e: {  	_ =	shalt  }
0x6f: {  	_ =	shalt  }
0x70: {  	_ =	shalt  }
0x71: {  	_ =	shalt  }
0x72: {  	_ =	shalt  }
0x73: {  	_ =	shalt  }
0x74: {  	_ =	shalt  }
0x75: {  	_ =	shalt  }
0x76: {  	_ =	shalt  }
0x77: {  	_ =	shalt  }
0x78: {  	_ =	shalt  }
0x79: {  	_ =	shalt  }
0x7a: {  	_ =	shalt  }
0x7b: {  	_ =	shalt  }
0x7c: {  	_ =	shalt  }
0x7d: {  	_ =	shalt  }
0x7e: {  	_ =	shalt  }
0x7f: {  	_ =	shalt  }
0x80: {  	_ =	shalt  }
0x81: {  	_ =	shalt  }
0x82: {  	_ =	shalt  }
0x83: {  	_ =	shalt  }
0x84: {  	_ =	shalt  }
0x85: {  	_ =	shalt  }
0x86: {  	_ =	shalt  }
0x87: {  	_ =	shalt  }
.Lfunc_end0:
.L_simem_size_0:
called_computation.2_lowered:
.L_overlay_start_0:
0x88: {  	s2 =	sld [smem:$0x3FD9]  }
0x89: {  	s3 =	sld [smem:$0x3FFE];
	_ =	sdelay $0x1  }
0x8a: {  	s1 =	srdreg.scid  }
0x8b: {  	s0 =	sand.u32 $0x1, s1  }
0x8c: {  	s17 =	sshll.u32 s0, $0xA;
	s2 =	sadd.s32 s3, s2  }
0x8d: {  	s2 =	sadd.s32 s2, s17  }
0x8e: {  	[smem:$0x3FC0] =	sst s2  }
0x8f: {  	_ = 	snop  }
0x90: {  	s2 =	sld [smem:$0x3FD0];
	(tm) =	ssettm $0x1  }
0x91: {  	s18 =	sld [smem:$0x3FFB];
	_ =	sdelay $0x3  }
0x92: {  	_ =	strace s18  }
0x93: {  	s3 =	sld [smem:$0x3FFC];
	_ =	sdelay $0x3  }
0x94: {  	_ =	strace s3  }
0x95: {  	s3 =	sld [smem:$0x3FFD];
	_ =	sdelay $0x3  }
0x96: {  	_ =	strace s3  }
0x97: {  	_ =	strace $0x8FFFFFFF  }
0x98: {  	s19 =	sld [smem:$0x3FDB];
	_ =	sdelay $0x1  }
0x99: {  	s4 =	simm.s32 $_scs_section_size  }
0x9a: {  	s5 =	simm.s32 $_size__tile_overlayer_lowered;
	s6 =	simm.s32 $_tile_overlayer_lowered  }
0x9b: {  	s22 =	simm.s32 $0x1BFF;
	s21 =	sshll.u32 s6, $0x1;
	s3 =	sadd.s32 s4, s19  }
0x9c: {  	s7 =	simm.s32 $0x0;
	s20 =	sshll.u32 s5, $0x1;
	s5 =	sadd.s32 s21, s3  }
0x9d: {  	[timem:s7], [sflag:s22] =	dma.local [hbm:s5], s20  }
0x9e: {  	_ =	swait.ge [sflag:s22], s20  }
0x9f: {  	s4 =	ssub.s32 $0x0, s20;
	[sflag:s22] =	ssyncset.done $0x0  }
0xa0: {  	[sflag:s22] =	ssyncadd.s32 s4;
	_ =	sdelay $0x1  }
0xa1: {  	s23 =	simm.s32 $0x1B8B  }
0xa2: {  	_ =	swait.ge [sflag:s23], $0x1  }
0xa3: {  	[sflag:s23] =	ssyncset.done $0x0  }
0xa4: {  	s25 =	simm.s32 $0x1B8E;
	s24 =	sld [smem:$0x3FFE];
	[sflag:s23] =	ssyncadd.s32 $0xFFFFFFFF  }
0xa5: {  	s26 =	simm.s32 $execute0_lowered;
	[smem:$0x3FD2] =	sst s25  }
0xa6: {  	s5 =	sshll.u32 s26, $0x1;
	_ =	strace $0x8000004C;
	[dreg:$0x1] =	wrdreg $0xFFFFFFFF  }
0xa7: {  	s28 =	simm.s32 $_size_execute0_lowered;
	s3 =	sadd.s32 s3, s5;
	[dreg:$0x0] =	wrdreg $0x0  }
0xa8: {  	s5 =	sshll.u32 s28, $0x1;
	[dreg:$0x2] =	wrdreg s3  }
0xa9: {  	[dreg:$0x3] =	wrdreg s5  }
0xaa: {  	[dreg:$0x4] =	wrdreg $0xC0  }
0xab: {  	_ =	task [dreg:s7], $0x5FFFF  }
0xac: {  	[dreg:$0x1] =	wrdreg $0xFFFFFFFF  }
0xad: {  	[dreg:$0x0] =	wrdreg $0x60  }
0xae: {  	[dreg:$0x2] =	wrdreg s24  }
0xaf: {  	[dreg:$0x3] =	wrdreg s2  }
0xb0: {  	[dreg:$0x4] =	wrdreg $0xA8000  }
0xb1: {  	[dreg:$0x5] =	wrdreg $0x9  }
0xb2: {  	_ =	task.clear_ibuf [dreg:s7], $0x6FFFF;
	_ =	strace $0x9000004C  }
0xb3: {  	s29 =	simm.s32 $0x9;
	_ =	strace $0x8000004E  }
0xb4: {  	_ =	swait.ge [sflag:s29], $0x1  }
0xb5: {  	[sflag:s29] =	ssyncadd.s32 $0xFFFFFFFF  }
0xb6: {  	_ =	strace $0x9000004E  }
0xb7: {  	_ =	sfence  }
0xb8: {  	s30 =	sld [smem:$0x0];
	_ =	sdelay $0x2  }
0xb9: {  	s31 =	sshll.u32 s1, $0xD;
	s1 =	sshrl.u32 s1, $0x2  }
0xba: {  	s3 =	sand.u32 $0x4000, s31;
	s1 =	sadd.s32 s1, s30  }
0xbb: {  	s0 =	sor.u32 s3, s0;
	s1 =	sshll.u32 s1, $0x11  }
0xbc: {  	s0 =	sor.u32 s1, s0  }
0xbd: {  	s0 =	sadd.s32 $0x8F2B, s0  }
0xbe: {  	[sflag:s0] =	ssyncadd.remote.s32 $0x1  }
0xbf: {  	_ =	sfence.sel $0xFFFF  }
0xc0: {  	[dreg:$0x0] =	wrdreg $0xFFFFFFFF;
	(pc) =	sbr.abs _section_cstart, $3  }
0xc1: {  	[dreg:$0x1] =	wrdreg $0xFFFFFFFF  }
0xc2: {  	_ =	task.clear_ibuf [dreg:s7], $0x2FFFF;
	_ =	strace $0x9FFFFFFF  }
0xc3: {  	(tm) =	ssettm $0x7FFFFFFF  }
tec
execute0_lowered:
.L_overlay_start_1:
0x0: {  	(tag) =	ssettag $0x1  }
0x1: {  	s5 =	rddreg [dreg:$0x0]  }
0x2: {  	s12 =	rddreg [dreg:$0x1]  }
0x3: {  	s2 =	rddreg [dreg:$0x2]  }
0x4: {  	s0 =	srdreg.scid;
	s1 =	rddreg [dreg:$0x3];
	s3 =	simm.s32 $0x0  }
0x5: {  	s16 =	simm.s32 $0x2800;
	s17 =	simm.s32 $0x5;
	s18 =	simm.s32 $0x1400  }
0x6: {  	s19 =	simm.s32 $0x80;
	s20 =	simm.s32 $0x1;
	s21 =	simm.s32 $0x6800  }
0x7: {  	s22 =	simm.s32 $0x2;
	s23 =	simm.s32 $0x3;
	s24 =	simm.s32 $0x4  }
0x8: {  	s25 =	simm.s32 $0x1380;
	s6 =	sand.u32 $0x1, s0;
	s0 =	stileid.u32  }
0x9: {  	s28 =	simm.s32 $0x2780;
	[smem:$0x7FF] =	sst s3;
	s4 =	smul.u32 $0x140000, s6  }
0xa: {  	s7 =	smul.u32 $0x14000, s0;
	_ =	strace $0x8000004D;
	s26 =	sshll.u32 s6, $0x4  }
0xb: {  	s8 =	smul.u32 $0x50000, s0;
	s6 =	ssub.s32 $0x2, s6;
	s29 =	sor.u32 s0, s26  }
0xc: {  	s31 =	sshrl.u32 s6, $0x1;
	s26 =	simm.s32 $0x2700;
	s4 =	sadd.s32 s7, s4  }
0xd: {  	s30 =	sshrl.u32 s8, $0x2;
	s11 =	smul.u32 $0x2800, s29;
	s7 =	sshrl.u32 s4, $0x3  }
0xe: {  	s13 =	ssub.s32 s6, s31;
	s4 =	sadd.s32 $0x2E00, s5;
	s10 =	sadd.s32 s7, s5  }
0xf: {  	s5 =	sadd.s32 s30, s2;
	s14 =	sshrl.u32 s11, $0x3;
	s11 =	smax.u32 s13, $0x1  }
0x10: {  	s6 =	sadd.s32 $0x4000, s5;
	s7 =	sadd.s32 $0x8000, s5;
	s8 =	sadd.s32 $0xC000, s5  }
0x11: {  	s9 =	sadd.s32 $0x10000, s5;
	s10 =	sadd.s32 $0x2AE00, s10;
	s12 =	sadd.s32 s12, s14  }
0x12: {  	v0 =	vimm.f32 $0.0e+00;
	s13 =	sadd.s32 $0xA000, s12;
	s14 =	sadd.s32 $0x280, s12;
	s15 =	sadd.s32 $0xA280, s12  }
.LBB2_1:
0x13: {  	s29 =	simm.s32 $0x0;
	s30 =	simm.s32 $0x200  }
.LBB2_2:
0x14: {  	p0 =	sne.s32 s30, $0xFE00;
	[tilespmem:s29+$0x2870] =	vst v0  }
0x15: {  	[tilespmem:s29+$0x2800] =	vst v0  }
0x16: {  	[tilespmem:s29+$0x2810] =	vst v0  }
.Ltmp0:
0x17: {  	[tilespmem:s29+$0x2820] =	vst v0;
	(pc) =	sbr.rel @p0 .LBB2_2-.Ltmp0, $4  }
0x18: {  	[tilespmem:s29+$0x2830] =	vst v0  }
0x19: {  	[tilespmem:s29+$0x2840] =	vst v0  }
0x1a: {  	[tilespmem:s29+$0x2850] =	vst v0  }
0x1b: {  	[tilespmem:s29+$0x2860] =	vst v0;
	s29 =	sshra.s32 s30, $0x2;
	s30 =	sadd.s32 $0x200, s30  }
0x1c: {  	[tilespmem:s29+$0x2870] =	vst v0  }
0x1d: {  	[tilespmem:s29+$0x2800] =	vst v0  }
0x1e: {  	[tilespmem:s29+$0x2810] =	vst v0  }
0x1f: {  	[tilespmem:s29+$0x2820] =	vst v0  }
0x20: {  	[tilespmem:s29+$0x2830] =	vst v0  }
0x21: {  	[tilespmem:s29+$0x2840] =	vst v0  }
0x22: {  	[tilespmem:s29+$0x2850] =	vst v0  }
0x23: {  	[tilespmem:s29+$0x2860] =	vst v0  }
0x24: {  	[spmem:s5] =	stream.linear.scatter [tilespmem:s16], [sflag:$0x5], $0x4000, $0x38;
	[tilespmem:$0x1E800] =	vst v63  }
0x25: {  	_ =	swait.ge [sflag:s17], $0x4000  }
0x26: {  	[sflag:s17] =	ssyncset.done $0x0  }
0x27: {  	[sflag:s17] =	ssyncadd.s32 $0xFFFFC000  }
0x28: {  	[spmem:s6] =	stream.linear.scatter [tilespmem:s16], [sflag:$0x5], $0x4000, $0x38;
	[tilespmem:$0x1E800] =	vst v63  }
0x29: {  	_ =	swait.ge [sflag:s17], $0x4000  }
0x2a: {  	[sflag:s17] =	ssyncset.done $0x0  }
0x2b: {  	[sflag:s17] =	ssyncadd.s32 $0xFFFFC000  }
0x2c: {  	[spmem:s7] =	stream.linear.scatter [tilespmem:s16], [sflag:$0x5], $0x4000, $0x38;
	[tilespmem:$0x1E800] =	vst v63  }
0x2d: {  	_ =	swait.ge [sflag:s17], $0x4000  }
0x2e: {  	[sflag:s17] =	ssyncset.done $0x0  }
0x2f: {  	[sflag:s17] =	ssyncadd.s32 $0xFFFFC000  }
0x30: {  	[spmem:s8] =	stream.linear.scatter [tilespmem:s16], [sflag:$0x5], $0x4000, $0x38;
	[tilespmem:$0x1E800] =	vst v63  }
0x31: {  	_ =	swait.ge [sflag:s17], $0x4000  }
0x32: {  	[sflag:s17] =	ssyncset.done $0x0  }
0x33: {  	[sflag:s17] =	ssyncadd.s32 $0xFFFFC000  }
0x34: {  	[spmem:s9] =	stream.linear.scatter [tilespmem:s16], [sflag:$0x5], $0x4000, $0x38;
	[tilespmem:$0x1E800] =	vst v63  }
0x35: {  	_ =	swait.ge [sflag:s17], $0x4000  }
0x36: {  	[sflag:s17] =	ssyncset.done $0x0  }
0x37: {  	[sflag:s17] =	ssyncadd.s32 $0xFFFFC000  }
0x38: {  	s29 =	simm.s32 $0x0;
	[bflag:$0x0] =	sbarrier.arrive $0xFFFF  }
0x39: {  	[tilespmem:s29], [sflag:$0x5] =	stream.linear.gather [hbm4b:s12+s29], $0x1400, $0x38;
	[tilespmem:$0x1E800] =	vst v63  }
0x3a: {  	_ =	swait.ge [sflag:s17], $0x1400  }
0x3b: {  	[sflag:s17] =	ssyncset.done $0x0  }
0x3c: {  	[sflag:s17] =	ssyncadd.s32 $0xFFFFEC00  }
0x3d: {  	[tilespmem:s18], [sflag:$0x5] =	stream.linear.gather [hbm4b:s13+s29], $0x1400, $0x38;
	[tilespmem:$0x1E800] =	vst v63  }
0x3e: {  	_ =	swait.ge [sflag:s17], $0x1400  }
0x3f: {  	[sflag:s17] =	ssyncset.done $0x0  }
0x40: {  	[sflag:s17] =	ssyncadd.s32 $0xFFFFEC00  }
0x41: {  	[tilespmem:s16], [sflag:$0x1] =	stream.indirect.gather [hbm4b:s4+s19], $0x80, s29, s19, $0xb8;
	[tilespmem:$0x1E800] =	vst v63  }
0x42: {  	_ =	swait.ge [sflag:s20], $0x4000  }
0x43: {  	[sflag:s20] =	ssyncset.done $0x0  }
0x44: {  	s29 =	simm.s32 $0x80;
	[sflag:s20] =	ssyncadd.s32 $0xFFFFC000  }
0x45: {  	[tilespmem:s21], [sflag:$0x2] =	stream.indirect.gather [hbm4b:s4+s19], $0x80, s29, s19, $0xb8;
	[tilespmem:$0x1E800] =	vst v63  }
0x46: {  	s29 =	simm.s32 $0x1400  }
0x47: {  	[spmem:s2] =	stream.indirect.scatter.add.f32 [tilespmem:s16], [sflag:$0x3], $0x80, s29, s19, $0xb8;
	[tilespmem:$0x1E800] =	vst v63  }
0x48: {  	_ =	swait.ge [sflag:s22], $0x4000  }
0x49: {  	[sflag:s22] =	ssyncset.done $0x0  }
0x4a: {  	s29 =	simm.s32 $0x1480;
	[sflag:s22] =	ssyncadd.s32 $0xFFFFC000  }
0x4b: {  	[spmem:s2] =	stream.indirect.scatter.add.f32 [tilespmem:s21], [sflag:$0x4], $0x80, s29, s19, $0xb8;
	[tilespmem:$0x1E800] =	vst v63  }
0x4c: {  	_ =	swait.ge [sflag:s23], $0x4000  }
0x4d: {  	[sflag:s23] =	ssyncset.done $0x0  }
0x4e: {  	s29 =	simm.s32 $0x100;
	[sflag:s23] =	ssyncadd.s32 $0xFFFFC000  }
0x4f: {  	[tilespmem:s16], [sflag:$0x1] =	stream.indirect.gather [hbm4b:s4+s19], $0x80, s29, s19, $0xb8;
	[tilespmem:$0x1E800] =	vst v63  }
0x50: {  	_ =	swait.ge [sflag:s24], $0x4000  }
0x51: {  	s29 =	simm.s32 $0x400;
	[sflag:s24] =	ssyncset.done $0x0  }
.LBB2_4:
0x52: {  	p0 =	sne.s32 s29, $0x4800  }
0x53: {  	[sflag:s24] =	ssyncadd.s32 $0xFFFFC000;
	s30 =	smov.u32 s29;
	s29 =	sadd.s32 $0x400, s29  }
0x54: {  	_ =	swait.ge [sflag:s20], $0x4000  }
0x55: {  	s30 =	sshra.s32 s30, $0x2;
	[sflag:s20] =	ssyncset.done $0x0  }
0x56: {  	s31 =	sadd.s32 $0x80, s30;
	[sflag:s20] =	ssyncadd.s32 $0xFFFFC000  }
0x57: {  	[tilespmem:s21], [sflag:$0x2] =	stream.indirect.gather [hbm4b:s4+s19], $0x80, s31, s19, $0xb8;
	[tilespmem:$0x1E800] =	vst v63  }
0x58: {  	s31 =	sadd.s32 $0x1400, s30  }
0x59: {  	[spmem:s2] =	stream.indirect.scatter.add.f32 [tilespmem:s16], [sflag:$0x3], $0x80, s31, s19, $0xb8;
	[tilespmem:$0x1E800] =	vst v63  }
0x5a: {  	_ =	swait.ge [sflag:s22], $0x4000  }
0x5b: {  	[sflag:s22] =	ssyncset.done $0x0  }
0x5c: {  	s31 =	sadd.s32 $0x1480, s30;
	[sflag:s22] =	ssyncadd.s32 $0xFFFFC000  }
0x5d: {  	[spmem:s2] =	stream.indirect.scatter.add.f32 [tilespmem:s21], [sflag:$0x4], $0x80, s31, s19, $0xb8;
	[tilespmem:$0x1E800] =	vst v63  }
0x5e: {  	_ =	swait.ge [sflag:s23], $0x4000  }
.Ltmp1:
0x5f: {  	[sflag:s23] =	ssyncset.done $0x0;
	(pc) =	sbr.rel @p0 .LBB2_4-.Ltmp1, $4  }
0x60: {  	s30 =	sadd.s32 $0x100, s30;
	[sflag:s23] =	ssyncadd.s32 $0xFFFFC000  }
0x61: {  	[tilespmem:s16], [sflag:$0x1] =	stream.indirect.gather [hbm4b:s4+s19], $0x80, s30, s19, $0xb8;
	[tilespmem:$0x1E800] =	vst v63  }
0x62: {  	_ =	swait.ge [sflag:s24], $0x4000  }
0x63: {  	[sflag:s24] =	ssyncset.done $0x0  }
0x64: {  	[sflag:s24] =	ssyncadd.s32 $0xFFFFC000  }
0x65: {  	_ =	swait.ge [sflag:s20], $0x4000  }
0x66: {  	[sflag:s20] =	ssyncset.done $0x0  }
0x67: {  	[sflag:s20] =	ssyncadd.s32 $0xFFFFC000  }
0x68: {  	[tilespmem:s21], [sflag:$0x2] =	stream.indirect.gather [hbm4b:s4+s19], $0x80, s25, s19, $0xb8;
	[tilespmem:$0x1E800] =	vst v63  }
0x69: {  	_ = 	snop  }
0x6a: {  	[spmem:s2] =	stream.indirect.scatter.add.f32 [tilespmem:s16], [sflag:$0x3], $0x80, s26, s19, $0xb8;
	[tilespmem:$0x1E800] =	vst v63  }
0x6b: {  	_ =	swait.ge [sflag:s22], $0x4000  }
0x6c: {  	[sflag:s22] =	ssyncset.done $0x0  }
0x6d: {  	[sflag:s22] =	ssyncadd.s32 $0xFFFFC000  }
0x6e: {  	[spmem:s2] =	stream.indirect.scatter.add.f32 [tilespmem:s21], [sflag:$0x4], $0x80, s28, s19, $0xb8;
	[tilespmem:$0x1E800] =	vst v63  }
0x6f: {  	_ =	swait.ge [sflag:s23], $0x4000  }
0x70: {  	[sflag:s23] =	ssyncset.done $0x0  }
0x71: {  	[sflag:s23] =	ssyncadd.s32 $0xFFFFC000  }
0x72: {  	_ =	swait.ge [sflag:s24], $0x4000  }
0x73: {  	[sflag:s24] =	ssyncset.done $0x0  }
0x74: {  	s29 =	simm.s32 $0x0;
	[sflag:s24] =	ssyncadd.s32 $0xFFFFC000  }
0x75: {  	[tilespmem:s29], [sflag:$0x5] =	stream.linear.gather [hbm4b:s14+s29], $0x1400, $0x38;
	[tilespmem:$0x1E800] =	vst v63  }
0x76: {  	_ =	swait.ge [sflag:s17], $0x1400  }
0x77: {  	[sflag:s17] =	ssyncset.done $0x0  }
0x78: {  	[sflag:s17] =	ssyncadd.s32 $0xFFFFEC00  }
0x79: {  	[tilespmem:s18], [sflag:$0x5] =	stream.linear.gather [hbm4b:s15+s29], $0x1400, $0x38;
	[tilespmem:$0x1E800] =	vst v63  }
0x7a: {  	_ =	swait.ge [sflag:s17], $0x1400  }
0x7b: {  	[sflag:s17] =	ssyncset.done $0x0  }
0x7c: {  	[sflag:s17] =	ssyncadd.s32 $0xFFFFEC00  }
0x7d: {  	[tilespmem:s16], [sflag:$0x1] =	stream.indirect.gather [hbm4b:s4+s19], $0x80, s29, s19, $0xb8;
	[tilespmem:$0x1E800] =	vst v63  }
0x7e: {  	_ =	swait.ge [sflag:s20], $0x4000  }
0x7f: {  	[sflag:s20] =	ssyncset.done $0x0  }
0x80: {  	s29 =	simm.s32 $0x80;
	[sflag:s20] =	ssyncadd.s32 $0xFFFFC000  }
0x81: {  	[tilespmem:s21], [sflag:$0x2] =	stream.indirect.gather [hbm4b:s4+s19], $0x80, s29, s19, $0xb8;
	[tilespmem:$0x1E800] =	vst v63  }
0x82: {  	s29 =	simm.s32 $0x1400  }
0x83: {  	[spmem:s2] =	stream.indirect.scatter.add.f32 [tilespmem:s16], [sflag:$0x3], $0x80, s29, s19, $0xb8;
	[tilespmem:$0x1E800] =	vst v63  }
0x84: {  	_ =	swait.ge [sflag:s22], $0x4000  }
0x85: {  	[sflag:s22] =	ssyncset.done $0x0  }
0x86: {  	s29 =	simm.s32 $0x1480;
	[sflag:s22] =	ssyncadd.s32 $0xFFFFC000  }
0x87: {  	[spmem:s2] =	stream.indirect.scatter.add.f32 [tilespmem:s21], [sflag:$0x4], $0x80, s29, s19, $0xb8;
	[tilespmem:$0x1E800] =	vst v63  }
0x88: {  	_ =	swait.ge [sflag:s23], $0x4000  }
0x89: {  	[sflag:s23] =	ssyncset.done $0x0  }
0x8a: {  	s29 =	simm.s32 $0x100;
	[sflag:s23] =	ssyncadd.s32 $0xFFFFC000  }
0x8b: {  	[tilespmem:s16], [sflag:$0x1] =	stream.indirect.gather [hbm4b:s4+s19], $0x80, s29, s19, $0xb8;
	[tilespmem:$0x1E800] =	vst v63  }
0x8c: {  	_ =	swait.ge [sflag:s24], $0x4000  }
0x8d: {  	s29 =	simm.s32 $0x400;
	[sflag:s24] =	ssyncset.done $0x0  }
.LBB2_6:
0x8e: {  	p0 =	sne.s32 s29, $0x4800  }
0x8f: {  	[sflag:s24] =	ssyncadd.s32 $0xFFFFC000;
	s30 =	smov.u32 s29;
	s29 =	sadd.s32 $0x400, s29  }
0x90: {  	_ =	swait.ge [sflag:s20], $0x4000  }
0x91: {  	s30 =	sshra.s32 s30, $0x2;
	[sflag:s20] =	ssyncset.done $0x0  }
0x92: {  	s31 =	sadd.s32 $0x80, s30;
	[sflag:s20] =	ssyncadd.s32 $0xFFFFC000  }
0x93: {  	[tilespmem:s21], [sflag:$0x2] =	stream.indirect.gather [hbm4b:s4+s19], $0x80, s31, s19, $0xb8;
	[tilespmem:$0x1E800] =	vst v63  }
0x94: {  	s31 =	sadd.s32 $0x1400, s30  }
0x95: {  	[spmem:s2] =	stream.indirect.scatter.add.f32 [tilespmem:s16], [sflag:$0x3], $0x80, s31, s19, $0xb8;
	[tilespmem:$0x1E800] =	vst v63  }
0x96: {  	_ =	swait.ge [sflag:s22], $0x4000  }
0x97: {  	[sflag:s22] =	ssyncset.done $0x0  }
0x98: {  	s31 =	sadd.s32 $0x1480, s30;
	[sflag:s22] =	ssyncadd.s32 $0xFFFFC000  }
0x99: {  	[spmem:s2] =	stream.indirect.scatter.add.f32 [tilespmem:s21], [sflag:$0x4], $0x80, s31, s19, $0xb8;
	[tilespmem:$0x1E800] =	vst v63  }
0x9a: {  	_ =	swait.ge [sflag:s23], $0x4000  }
.Ltmp2:
0x9b: {  	[sflag:s23] =	ssyncset.done $0x0;
	(pc) =	sbr.rel @p0 .LBB2_6-.Ltmp2, $4  }
0x9c: {  	s30 =	sadd.s32 $0x100, s30;
	[sflag:s23] =	ssyncadd.s32 $0xFFFFC000  }
0x9d: {  	[tilespmem:s16], [sflag:$0x1] =	stream.indirect.gather [hbm4b:s4+s19], $0x80, s30, s19, $0xb8;
	[tilespmem:$0x1E800] =	vst v63  }
0x9e: {  	_ =	swait.ge [sflag:s24], $0x4000  }
0x9f: {  	[sflag:s24] =	ssyncset.done $0x0  }
0xa0: {  	[sflag:s24] =	ssyncadd.s32 $0xFFFFC000  }
0xa1: {  	_ =	swait.ge [sflag:s20], $0x4000  }
0xa2: {  	[sflag:s20] =	ssyncset.done $0x0  }
0xa3: {  	[sflag:s20] =	ssyncadd.s32 $0xFFFFC000  }
0xa4: {  	[tilespmem:s21], [sflag:$0x2] =	stream.indirect.gather [hbm4b:s4+s19], $0x80, s25, s19, $0xb8;
	[tilespmem:$0x1E800] =	vst v63  }
0xa5: {  	_ = 	snop  }
0xa6: {  	[spmem:s2] =	stream.indirect.scatter.add.f32 [tilespmem:s16], [sflag:$0x3], $0x80, s26, s19, $0xb8;
	[tilespmem:$0x1E800] =	vst v63  }
0xa7: {  	_ =	swait.ge [sflag:s22], $0x4000  }
0xa8: {  	[sflag:s22] =	ssyncset.done $0x0  }
0xa9: {  	[sflag:s22] =	ssyncadd.s32 $0xFFFFC000  }
0xaa: {  	[spmem:s2] =	stream.indirect.scatter.add.f32 [tilespmem:s21], [sflag:$0x4], $0x80, s28, s19, $0xb8;
	[tilespmem:$0x1E800] =	vst v63  }
0xab: {  	_ =	swait.ge [sflag:s23], $0x4000  }
0xac: {  	[sflag:s23] =	ssyncset.done $0x0  }
0xad: {  	[sflag:s23] =	ssyncadd.s32 $0xFFFFC000  }
0xae: {  	_ =	swait.ge [sflag:s24], $0x4000  }
0xaf: {  	s29 =	sshll.u32 s0, $0x6;
	s3 =	sadd.s32 $0x1, s3;
	[sflag:s24] =	ssyncset.done $0x0  }
0xb0: {  	s30 =	sshrl.u32 s5, $0x3;
	p0 =	sne.s32 s3, s11;
	[sflag:s24] =	ssyncadd.s32 $0xFFFFC000  }
.Ltmp3:
0xb1: {  	s29 =	sor.u32 $0x1C05, s29;
	[bflag:$0x0] =	sbarrier.arrive $0xFFFF;
	(pc) =	sbr.rel @p0 .LBB2_1-.Ltmp3, $4  }
0xb2: {  	[hbm:s10], [sflag:s29] =	dma.local [spmem:s30], $0x2800  }
0xb3: {  	_ =	swait.ge [sflag:s17], $0x2800  }
0xb4: {  	[sflag:s17] =	ssyncset.done $0x0  }
0xb5: {  	[sflag:s17] =	ssyncadd.s32 $0xFFFFD800  }
0xb6: {  	_ =	sfence.sel $0x180000  }
0xb7: {  	[bflag:$0x0] =	sbarrier.arrive $0xFFFF  }
0xb8: {  	p0 =	sne.s32 s0, $0x0;
	_ =	strace $0x9000004D  }
0xb9: {  	s0 =	sadd.s32 @!p0 $0x100000, s1;
	[bflag:$0x2] =	sbarrier.arrive $0xFFFF  }
0xba: {  	[sflag:s0] =	ssyncadd.tile.s32 @!p0 $0x1;
	_ =	shalt  }
.Lfunc_end2:
_tile_overlayer_lowered:
.L_overlay_start_2:
0xbb: {  	(tag) =	ssettag $0x2  }
0xbc: {  	s0 =	rddreg [dreg:$0x0];
	s2 =	stileid.u32  }
0xbd: {  	s1 =	rddreg [dreg:$0x1];
	p0 =	sne.s32 s2, $0x0  }
0xbe: {  	s3 =	rddreg [dreg:$0x2];
	[bflag:$0x3] =	sbarrier.arrive $0xFFFF;
	s2 =	simm.s32 @!p0 $0x1C05  }
0xbf: {  	[timem:s3], [sflag:s2] =	dma.local @!p0 [hbm:s0], s1  }
0xc0: {  	s0 =	simm.s32 @!p0 $0x5  }
0xc1: {  	_ =	swait.ge @!p0 [sflag:s0], s1  }
0xc2: {  	s1 =	ssub.s32 @!p0 $0x0, s1;
	[sflag:s0] =	ssyncset.done @!p0 $0x0  }
0xc3: {  	[sflag:s0] =	ssyncadd.s32 @!p0 s1  }
0xc4: {  	[bflag:$0x3] =	sbarrier.arrive $0xFFFF  }
0xc5: {  	_ =	shalt  }

// kernel: kernel.9.cloned.1.call-start
scs
__scs_entry_jumppad:
0x0: {  	(pc) =	sbr.rel $0x88, $3  }
0x1: {  	(tag) =	ssettag $0x0;
	lr =	simm.s32 $0x1  }
0x2: {  	[smem:$0x3F99] =	sst lr;
	_ =	strace $0xD0000000  }
0x3: {  	_ = 	snop  }
0x4: {  	_ = 	snop  }
0x5: {  	_ = 	snop  }
0x6: {  	_ = 	snop  }
0x7: {  	_ = 	snop  }
__scs_overlays_trampoline_lowered:
0x8: {  	[smem:$0x3FA8] =	sst s0  }
0x9: {  	[smem:$0x3FA9] =	sst s1  }
0xa: {  	[smem:$0x3FAA] =	sst s2  }
0xb: {  	[smem:$0x3FAB] =	sst s3  }
0xc: {  	[smem:$0x3FAC] =	sst s4  }
0xd: {  	[smem:$0x3FAD] =	sst s5  }
0xe: {  	[smem:$0x3FAE] =	sst s6  }
0xf: {  	[smem:$0x3FAF] =	sst s7  }
0x10: {  	[smem:$0x3FB0] =	sst s8  }
0x11: {  	[smem:$0x3FB1] =	sst s9;
	s0 =	simm.s32 @!p0 $0x0  }
0x12: {  	s1 =	sld [smem:$0x3F97];
	s0 =	simm.s32 @p0 $0x1  }
0x13: {  	[smem:$0x3FB2] =	sst s0;
	s0 =	simm.s32 @!p1 $0x0  }
0x14: {  	s2 =	sld [smem:$0x3F96];
	s0 =	simm.s32 @p1 $0x1  }
0x15: {  	[smem:$0x3FB3] =	sst s0;
	s0 =	simm.s32 @!p2 $0x0  }
0x16: {  	s3 =	sld [smem:$0x3FDB];
	s0 =	simm.s32 @p2 $0x1  }
0x17: {  	s4 =	simm.s32 $0x1BF5;
	[smem:$0x3FB5] =	sst s0  }
0x18: {  	s0 =	sld [smem:$0x3F98];
	_ =	swait.ge [sflag:s4], $0x0  }
0x19: {  	s7 =	sld [smem:$0x3F99]  }
0x1a: {  	s8 =	sadd.s32 $0xFFFFE003, lr  }
0x1b: {  	s9 =	sadd.s32 $0xFFFFFEF7, lr;
	s5 =	simm.s32 $0xFFFFFFFF;
	p2 =	slt.u32 s8, $0xFFFFF086  }
0x1c: {  	p1 =	slt.u32 s9, $0xF7A;
	s5 =	simm.s32 @!p2 $0x0  }
0x1d: {  	s5 =	simm.s32 @p1 $0x1;
	p0 =	seq.s32 s7, s2  }
0x1e: {  	s7 =	smul.u32 @!p0 $0xF7A, s2;
	p2 =	seq.s32 @!p0 s5, $0x0  }
0x1f: {  	s9 =	smul.u32 $0xF7A, s1;
	s8 =	simm.s32 @!p0 $0x1BF5;
	p2 =	por !p2, p0  }
0x20: {  	[sflag:s8] =	ssyncset.s32 @!p0 $0xFFFFF086;
	s6 =	sadd.s32 @!p0 s3, s7;
	s7 =	simm.s32 @!p0 $0x108  }
0x21: {  	s3 =	sadd.s32 s3, s9;
	s6 =	sadd.s32 @!p0 $0x88, s6;
	s7 =	simm.s32 @p2 $0x1082  }
0x22: {  	[simem:s7], [sflag:s8] =	dma.local @!p0 [hbm:s6], $0xF7A  }
0x23: {  	s9 =	sor.u32 $0xD0000000, s2;
	s6 =	simm.s32 $0x108;
	_ =	swait.ge @!p0 [sflag:s8], $0x0  }
0x24: {  	s3 =	sadd.s32 $0x88, s3;
	s6 =	simm.s32 @!p1 $0x1082;
	[sflag:s4] =	ssyncset.s32 $0xFFFFF086  }
0x25: {  	[simem:s6], [sflag:s4] =	dma.local [hbm:s3], $0xF7A  }
0x26: {  	[smem:$0x3F99] =	sst s1;
	(tag) =	ssettag s2;
	_ =	strace s9  }
0x27: {  	s1 =	sld [smem:$0x3FA9]  }
0x28: {  	s2 =	sld [smem:$0x3FAA]  }
0x29: {  	s4 =	sld [smem:$0x3FAC]  }
0x2a: {  	p0 =	seq.s32 s5, $0x0;
	s5 =	sld [smem:$0x3FAD]  }
0x2b: {  	s6 =	sld [smem:$0x3FAE]  }
0x2c: {  	s7 =	sld [smem:$0x3FAF]  }
0x2d: {  	s3 =	simm.s32 $0x108;
	s8 =	sld [smem:$0x3FB0]  }
0x2e: {  	s3 =	simm.s32 @!p0 $0x1082;
	s9 =	sld [smem:$0x3FB1]  }
0x2f: {  	lr =	sadd.s32 s0, s3;
	s0 =	sld [smem:$0x3FA8]  }
0x30: {  	s3 =	sld [smem:$0x3FAB]  }
0x31: {  	[smem:$0x3FB4] =	sst s10  }
0x32: {  	s10 =	sld [smem:$0x3FB2];
	_ =	sdelay $0x3  }
0x33: {  	p0 =	seq.s32 s10, $0x1;
	s10 =	sld [smem:$0x3FB4];
	_ =	sdelay $0x3  }
0x34: {  	[smem:$0x3FB4] =	sst s10  }
0x35: {  	s10 =	sld [smem:$0x3FB3];
	_ =	sdelay $0x3  }
0x36: {  	p1 =	seq.s32 s10, $0x1;
	s10 =	sld [smem:$0x3FB4];
	_ =	sdelay $0x3  }
0x37: {  	[smem:$0x3FB4] =	sst s10  }
0x38: {  	s10 =	sld [smem:$0x3FB5]  }
0x39: {  	_ = 	snop;
	(pc) =	sbr.ind lr, $3  }
0x3a: {  	_ = 	snop  }
0x3b: {  	_ = 	snop  }
0x3c: {  	p2 =	seq.s32 s10, $0x1;
	s10 =	sld [smem:$0x3FB4]  }
0x3d: {  	_ =	shalt  }
0x3e: {  	_ =	shalt  }
0x3f: {  	_ =	shalt  }
0x40: {  	_ =	shalt  }
0x41: {  	_ =	shalt  }
0x42: {  	_ =	shalt  }
0x43: {  	_ =	shalt  }
0x44: {  	_ =	shalt  }
0x45: {  	_ =	shalt  }
0x46: {  	_ =	shalt  }
0x47: {  	_ =	shalt  }
0x48: {  	_ =	shalt  }
0x49: {  	_ =	shalt  }
0x4a: {  	_ =	shalt  }
0x4b: {  	_ =	shalt  }
0x4c: {  	_ =	shalt  }
0x4d: {  	_ =	shalt  }
0x4e: {  	_ =	shalt  }
0x4f: {  	_ =	shalt  }
0x50: {  	_ =	shalt  }
0x51: {  	_ =	shalt  }
0x52: {  	_ =	shalt  }
0x53: {  	_ =	shalt  }
0x54: {  	_ =	shalt  }
0x55: {  	_ =	shalt  }
0x56: {  	_ =	shalt  }
0x57: {  	_ =	shalt  }
0x58: {  	_ =	shalt  }
0x59: {  	_ =	shalt  }
0x5a: {  	_ =	shalt  }
0x5b: {  	_ =	shalt  }
0x5c: {  	_ =	shalt  }
0x5d: {  	_ =	shalt  }
0x5e: {  	_ =	shalt  }
0x5f: {  	_ =	shalt  }
0x60: {  	_ =	shalt  }
0x61: {  	_ =	shalt  }
0x62: {  	_ =	shalt  }
0x63: {  	_ =	shalt  }
0x64: {  	_ =	shalt  }
0x65: {  	_ =	shalt  }
0x66: {  	_ =	shalt  }
0x67: {  	_ =	shalt  }
0x68: {  	_ =	shalt  }
0x69: {  	_ =	shalt  }
0x6a: {  	_ =	shalt  }
0x6b: {  	_ =	shalt  }
0x6c: {  	_ =	shalt  }
0x6d: {  	_ =	shalt  }
0x6e: {  	_ =	shalt  }
0x6f: {  	_ =	shalt  }
0x70: {  	_ =	shalt  }
0x71: {  	_ =	shalt  }
0x72: {  	_ =	shalt  }
0x73: {  	_ =	shalt  }
0x74: {  	_ =	shalt  }
0x75: {  	_ =	shalt  }
0x76: {  	_ =	shalt  }
0x77: {  	_ =	shalt  }
0x78: {  	_ =	shalt  }
0x79: {  	_ =	shalt  }
0x7a: {  	_ =	shalt  }
0x7b: {  	_ =	shalt  }
0x7c: {  	_ =	shalt  }
0x7d: {  	_ =	shalt  }
0x7e: {  	_ =	shalt  }
0x7f: {  	_ =	shalt  }
0x80: {  	_ =	shalt  }
0x81: {  	_ =	shalt  }
0x82: {  	_ =	shalt  }
0x83: {  	_ =	shalt  }
0x84: {  	_ =	shalt  }
0x85: {  	_ =	shalt  }
0x86: {  	_ =	shalt  }
0x87: {  	_ =	shalt  }
.Lfunc_end0:
.L_simem_size_0:
called_computation_lowered:
.L_overlay_start_0:
0x88: {  	s2 =	sld [smem:$0x3FD9]  }
0x89: {  	s3 =	sld [smem:$0x3FFE];
	_ =	sdelay $0x1  }
0x8a: {  	s1 =	srdreg.scid  }
0x8b: {  	s0 =	sand.u32 $0x1, s1  }
0x8c: {  	s17 =	sshll.u32 s0, $0xA;
	s2 =	sadd.s32 s3, s2  }
0x8d: {  	s2 =	sadd.s32 s2, s17  }
0x8e: {  	[smem:$0x3FC0] =	sst s2  }
0x8f: {  	_ = 	snop  }
0x90: {  	s2 =	sld [smem:$0x3FD0];
	(tm) =	ssettm $0x1  }
0x91: {  	s18 =	sld [smem:$0x3FFB];
	_ =	sdelay $0x3  }
0x92: {  	_ =	strace s18  }
0x93: {  	s3 =	sld [smem:$0x3FFC];
	_ =	sdelay $0x3  }
0x94: {  	_ =	strace s3  }
0x95: {  	s3 =	sld [smem:$0x3FFD];
	_ =	sdelay $0x3  }
0x96: {  	_ =	strace s3  }
0x97: {  	_ =	strace $0x8FFFFFFF  }
0x98: {  	s19 =	sld [smem:$0x3FDB];
	_ =	sdelay $0x1  }
0x99: {  	s4 =	simm.s32 $_scs_section_size  }
0x9a: {  	s5 =	simm.s32 $_size__tile_overlayer_lowered;
	s6 =	simm.s32 $_tile_overlayer_lowered  }
0x9b: {  	s22 =	simm.s32 $0x1BFF;
	s21 =	sshll.u32 s6, $0x1;
	s3 =	sadd.s32 s4, s19  }
0x9c: {  	s7 =	simm.s32 $0x0;
	s20 =	sshll.u32 s5, $0x1;
	s5 =	sadd.s32 s21, s3  }
0x9d: {  	[timem:s7], [sflag:s22] =	dma.local [hbm:s5], s20  }
0x9e: {  	_ =	swait.ge [sflag:s22], s20  }
0x9f: {  	s4 =	ssub.s32 $0x0, s20;
	[sflag:s22] =	ssyncset.done $0x0  }
0xa0: {  	[sflag:s22] =	ssyncadd.s32 s4;
	_ =	sdelay $0x1  }
0xa1: {  	s23 =	simm.s32 $0x1B8B  }
0xa2: {  	_ =	swait.ge [sflag:s23], $0x1  }
0xa3: {  	[sflag:s23] =	ssyncset.done $0x0  }
0xa4: {  	s25 =	simm.s32 $0x1B8E;
	s24 =	sld [smem:$0x3FFE];
	[sflag:s23] =	ssyncadd.s32 $0xFFFFFFFF  }
0xa5: {  	s26 =	simm.s32 $execute0_lowered;
	[smem:$0x3FD2] =	sst s25  }
0xa6: {  	s5 =	sshll.u32 s26, $0x1;
	_ =	strace $0x80000046;
	[dreg:$0x1] =	wrdreg $0xFFFFFFFF  }
0xa7: {  	s28 =	simm.s32 $_size_execute0_lowered;
	s3 =	sadd.s32 s3, s5;
	[dreg:$0x0] =	wrdreg $0x0  }
0xa8: {  	s5 =	sshll.u32 s28, $0x1;
	[dreg:$0x2] =	wrdreg s3  }
0xa9: {  	[dreg:$0x3] =	wrdreg s5  }
0xaa: {  	[dreg:$0x4] =	wrdreg $0xC0  }
0xab: {  	_ =	task [dreg:s7], $0x5FFFF  }
0xac: {  	[dreg:$0x1] =	wrdreg $0xFFFFFFFF  }
0xad: {  	[dreg:$0x0] =	wrdreg $0x60  }
0xae: {  	[dreg:$0x2] =	wrdreg s2  }
0xaf: {  	[dreg:$0x3] =	wrdreg s24  }
0xb0: {  	[dreg:$0x4] =	wrdreg $0xA8000  }
0xb1: {  	[dreg:$0x5] =	wrdreg $0x9  }
0xb2: {  	_ =	task.clear_ibuf [dreg:s7], $0x6FFFF;
	_ =	strace $0x90000046  }
0xb3: {  	s29 =	simm.s32 $0x9;
	_ =	strace $0x80000048  }
0xb4: {  	_ =	swait.ge [sflag:s29], $0x1  }
0xb5: {  	[sflag:s29] =	ssyncadd.s32 $0xFFFFFFFF  }
0xb6: {  	_ =	strace $0x90000048  }
0xb7: {  	_ =	sfence  }
0xb8: {  	s30 =	sld [smem:$0x0];
	_ =	sdelay $0x2  }
0xb9: {  	s31 =	sshll.u32 s1, $0xD;
	s1 =	sshrl.u32 s1, $0x2  }
0xba: {  	s3 =	sand.u32 $0x4000, s31;
	s1 =	sadd.s32 s1, s30  }
0xbb: {  	s0 =	sor.u32 s3, s0;
	s1 =	sshll.u32 s1, $0x11  }
0xbc: {  	s0 =	sor.u32 s1, s0  }
0xbd: {  	s0 =	sadd.s32 $0x8F2B, s0  }
0xbe: {  	[sflag:s0] =	ssyncadd.remote.s32 $0x1  }
0xbf: {  	_ =	sfence.sel $0xFFFF  }
0xc0: {  	[dreg:$0x0] =	wrdreg $0xFFFFFFFF;
	(pc) =	sbr.abs _section_cstart, $3  }
0xc1: {  	[dreg:$0x1] =	wrdreg $0xFFFFFFFF  }
0xc2: {  	_ =	task.clear_ibuf [dreg:s7], $0x2FFFF;
	_ =	strace $0x9FFFFFFF  }
0xc3: {  	(tm) =	ssettm $0x7FFFFFFF  }
tec
execute0_lowered:
.L_overlay_start_1:
0x0: {  	(tag) =	ssettag $0x1  }
0x1: {  	s8 =	rddreg [dreg:$0x0]  }
0x2: {  	s4 =	rddreg [dreg:$0x1];
	s0 =	srdreg.scid  }
0x3: {  	s2 =	rddreg [dreg:$0x2];
	s1 =	stileid.u32  }
0x4: {  	s3 =	simm.s32 $0x0;
	s12 =	simm.s32 $0x6800;
	s13 =	simm.s32 $0x2  }
0x5: {  	s14 =	simm.s32 $0x80;
	s15 =	simm.s32 $0x2800;
	s16 =	simm.s32 $0x1  }
0x6: {  	s5 =	sand.u32 $0x1, s0;
	s0 =	rddreg [dreg:$0x3];
	s7 =	smul.u32 $0x14000, s1  }
0x7: {  	[smem:$0x7FF] =	sst s3;
	s9 =	smul.u32 $0x50000, s1;
	s17 =	sshll.u32 s1, $0x6  }
0x8: {  	s6 =	smul.u32 $0x140000, s5;
	s29 =	sshll.u32 s5, $0x4;
	_ =	strace $0x80000047  }
0x9: {  	s5 =	ssub.s32 $0x2, s5;
	s17 =	sor.u32 $0x1C02, s17;
	s9 =	sshrl.u32 s9, $0x2  }
0xa: {  	s30 =	sshrl.u32 s5, $0x1;
	s6 =	sadd.s32 s7, s6;
	s7 =	sor.u32 s1, s29  }
0xb: {  	s11 =	ssub.s32 s5, s30;
	s6 =	sshrl.u32 s6, $0x3;
	s7 =	smul.u32 $0x2800, s7  }
0xc: {  	s11 =	smax.u32 s11, $0x1;
	s10 =	sadd.s32 s6, s4;
	s4 =	sadd.s32 s9, s2  }
0xd: {  	s5 =	sadd.s32 $0x4000, s4;
	s31 =	sshrl.u32 s7, $0x3;
	s6 =	sadd.s32 $0x8000, s4  }
0xe: {  	s7 =	sadd.s32 $0xC000, s4;
	s10 =	sadd.s32 $0x2E00, s10;
	s9 =	sadd.s32 s8, s31  }
0xf: {  	v0 =	vimm.f32 $1.000000000e+00;
	v1 =	vimm.f32 $0.0e+00;
	s18 =	sshrl.u32 s4, $0x3;
	s8 =	sadd.s32 $0x10000, s4;
	s9 =	sadd.s32 $0xA000, s9  }
.LBB2_1:
0x10: {  	s19 =	simm.s32 $0x200;
	s20 =	simm.s32 $0x0  }
.LBB2_2:
0x11: {  	p0 =	sne.s32 s19, $0xFE00;
	[tilespmem:s20+$0x2800] =	vst v0;
	s21 =	smov.u32 s19;
	s19 =	sadd.s32 $0x200, s19  }
.Ltmp0:
0x12: {  	[tilespmem:s20+$0x6800] =	vst v1;
	(pc) =	sbr.rel @p0 .LBB2_2-.Ltmp0, $2  }
0x13: {  	_ =	sdelay $0x2  }
0x14: {  	s20 =	sshra.s32 s21, $0x2  }
0x15: {  	[tilespmem:s20+$0x2800] =	vst v0  }
0x16: {  	[tilespmem:s20+$0x6800] =	vst v1  }
0x17: {  	[spmem:s4] =	stream.linear.scatter [tilespmem:s12], [sflag:$0x2], $0x4000, $0x38;
	[tilespmem:$0xD000] =	vst v63  }
0x18: {  	_ =	swait.ge [sflag:s13], $0x4000  }
0x19: {  	[sflag:s13] =	ssyncset.done $0x0  }
0x1a: {  	[sflag:s13] =	ssyncadd.s32 $0xFFFFC000  }
0x1b: {  	[spmem:s5] =	stream.linear.scatter [tilespmem:s12], [sflag:$0x2], $0x4000, $0x38;
	[tilespmem:$0xD000] =	vst v63  }
0x1c: {  	_ =	swait.ge [sflag:s13], $0x4000  }
0x1d: {  	[sflag:s13] =	ssyncset.done $0x0  }
0x1e: {  	[sflag:s13] =	ssyncadd.s32 $0xFFFFC000  }
0x1f: {  	[spmem:s6] =	stream.linear.scatter [tilespmem:s12], [sflag:$0x2], $0x4000, $0x38;
	[tilespmem:$0xD000] =	vst v63  }
0x20: {  	_ =	swait.ge [sflag:s13], $0x4000  }
0x21: {  	[sflag:s13] =	ssyncset.done $0x0  }
0x22: {  	[sflag:s13] =	ssyncadd.s32 $0xFFFFC000  }
0x23: {  	[spmem:s7] =	stream.linear.scatter [tilespmem:s12], [sflag:$0x2], $0x4000, $0x38;
	[tilespmem:$0xD000] =	vst v63  }
0x24: {  	_ =	swait.ge [sflag:s13], $0x4000  }
0x25: {  	[sflag:s13] =	ssyncset.done $0x0  }
0x26: {  	[sflag:s13] =	ssyncadd.s32 $0xFFFFC000  }
0x27: {  	[spmem:s8] =	stream.linear.scatter [tilespmem:s12], [sflag:$0x2], $0x4000, $0x38;
	[tilespmem:$0xD000] =	vst v63  }
0x28: {  	_ =	swait.ge [sflag:s13], $0x4000  }
0x29: {  	[sflag:s13] =	ssyncset.done $0x0  }
0x2a: {  	s19 =	simm.s32 $0x0;
	[sflag:s13] =	ssyncadd.s32 $0xFFFFC000  }
0x2b: {  	[tilespmem:s19], [sflag:$0x2] =	stream.linear.gather [hbm4b:s9+s19], $0x2800, $0x38;
	[tilespmem:$0xD000] =	vst v63  }
0x2c: {  	_ =	swait.ge [sflag:s13], $0x2800  }
0x2d: {  	[sflag:s13] =	ssyncset.done $0x0  }
0x2e: {  	[sflag:s13] =	ssyncadd.s32 $0xFFFFD800  }
0x2f: {  	[bflag:$0x0] =	sbarrier.arrive $0xFFFF  }
.LBB2_4:
0x30: {  	p0 =	sne.s32 s19, $0x9E00  }
.Ltmp1:
0x31: {  	_ = 	snop;
	(pc) =	sbr.rel @p0 .LBB2_4-.Ltmp1, $3  }
0x32: {  	_ =	sdelay $0x1  }
0x33: {  	s20 =	sshra.s32 s19, $0x2;
	s19 =	sadd.s32 $0x200, s19  }
0x34: {  	[spmem:s2] =	stream.indirect.scatter.add.f32 [tilespmem:s15], [sflag:$0x1], $0x10, s20, s14, $0xb8;
	[tilespmem:$0xD000] =	vst v63  }
0x35: {  	_ =	swait.ge [sflag:s16], $0x800  }
0x36: {  	s19 =	simm.s32 $0x4F;
	[sflag:s16] =	ssyncset.done $0x0  }
.LBB2_6:
0x37: {  	p0 =	sne.s32 s19, $0x1;
	s19 =	sadd.s32 $0xFFFFFFFF, s19;
	[sflag:s16] =	ssyncadd.s32 $0xFFFFF800  }
.Ltmp2:
0x38: {  	(pc) =	sbr.rel @p0 .LBB2_6-.Ltmp2, $3  }
0x39: {  	_ =	sdelay $0x1  }
0x3a: {  	_ =	swait.ge [sflag:s16], $0x800  }
0x3b: {  	[sflag:s16] =	ssyncset.done $0x0  }
0x3c: {  	s3 =	sadd.s32 $0x1, s3  }
0x3d: {  	[sflag:s16] =	ssyncadd.s32 $0xFFFFF800;
	p0 =	sne.s32 s3, s11  }
.Ltmp3:
0x3e: {  	[bflag:$0x0] =	sbarrier.arrive $0xFFFF;
	(pc) =	sbr.rel @p0 .LBB2_1-.Ltmp3, $4  }
0x3f: {  	[hbm:s10], [sflag:s17] =	dma.local [spmem:s18], $0x2800  }
0x40: {  	_ =	swait.ge [sflag:s13], $0x2800  }
0x41: {  	[sflag:s13] =	ssyncset.done $0x0  }
0x42: {  	[sflag:s13] =	ssyncadd.s32 $0xFFFFD800  }
0x43: {  	_ =	sfence.sel $0x180000  }
0x44: {  	[bflag:$0x0] =	sbarrier.arrive $0xFFFF  }
0x45: {  	p0 =	sne.s32 s1, $0x0;
	_ =	strace $0x90000047  }
0x46: {  	s0 =	sadd.s32 @!p0 $0x100000, s0;
	[bflag:$0x2] =	sbarrier.arrive $0xFFFF  }
0x47: {  	[sflag:s0] =	ssyncadd.tile.s32 @!p0 $0x1;
	_ =	shalt  }
.Lfunc_end2:
_tile_overlayer_lowered:
.L_overlay_start_2:
0x48: {  	(tag) =	ssettag $0x2  }
0x49: {  	s0 =	rddreg [dreg:$0x0];
	s2 =	stileid.u32  }
0x4a: {  	s1 =	rddreg [dreg:$0x1];
	p0 =	sne.s32 s2, $0x0  }
0x4b: {  	s3 =	rddreg [dreg:$0x2];
	[bflag:$0x3] =	sbarrier.arrive $0xFFFF;
	s2 =	simm.s32 @!p0 $0x1C02  }
0x4c: {  	[timem:s3], [sflag:s2] =	dma.local @!p0 [hbm:s0], s1  }
0x4d: {  	s0 =	simm.s32 @!p0 $0x2  }
0x4e: {  	_ =	swait.ge @!p0 [sflag:s0], s1  }
0x4f: {  	s1 =	ssub.s32 @!p0 $0x0, s1;
	[sflag:s0] =	ssyncset.done @!p0 $0x0  }
0x50: {  	[sflag:s0] =	ssyncadd.s32 @!p0 s1  }
0x51: {  	[bflag:$0x3] =	sbarrier.arrive $0xFFFF  }
0x52: {  	_ =	shalt  }

</sc_bundles>
